<compile_context>
chip_gen: v7x
topology: tpu7x:2x2x1
jax: 0.10.2.dev20260603
libtpu: 0.0.44.dev20260713+nightly
codegen_flags: <defaults>
</compile_context>

<pallas_src>
import functools

import jax
import jax.numpy as jnp
from jax import lax
from jax.experimental import pallas as pl
from jax.experimental.pallas import tpu as pltpu
from jax.experimental.pallas import tpu_sc as plsc

RES = 256
NBINS = RES * RES
NUM_ROOMS = 16
N_AGENTS = 200000

NUM_CORES = 2
NUM_SUBCORES = 16
NW = NUM_CORES * NUM_SUBCORES
ROWS = 49
CHUNK = ROWS * 128
PAD_N = NW * CHUNK
PAD_COUNT = PAD_N - N_AGENTS
ZCH = NBINS // NUM_SUBCORES


def _sc_histogram(pos_t):
    mesh = plsc.VectorSubcoreMesh(core_axis_name="c", subcore_axis_name="s")

    @functools.partial(
        pl.kernel,
        out_type=jax.ShapeDtypeStruct((NUM_CORES, NBINS), jnp.float32),
        mesh=mesh,
        scratch_types=[
            pltpu.VMEM((CHUNK,), jnp.float32),
            pltpu.VMEM((CHUNK,), jnp.float32),
            pltpu.VMEM((ROWS, 128), jnp.int32),
            pltpu.VMEM((128,), jnp.float32),
            pltpu.VMEM((ZCH,), jnp.float32),
            pltpu.VMEM_SHARED((NBINS,), jnp.float32),
            pltpu.SemaphoreType.DMA,
            pltpu.SemaphoreType.DMA,
        ],
    )
    def hist_kernel(pos_hbm, out_hbm, x_v, y_v, idx_v, ones_v, zero_v,
                    hist_sh, sem, sem_sc):
        cid = lax.axis_index("c")
        sid = lax.axis_index("s")
        wid = sid * NUM_CORES + cid
        base = wid * CHUNK

        cp_x = pltpu.make_async_copy(pos_hbm.at[0, pl.ds(base, CHUNK)], x_v,
                                     sem)
        cp_y = pltpu.make_async_copy(pos_hbm.at[1, pl.ds(base, CHUNK)], y_v,
                                     sem)
        cp_x.start()
        cp_y.start()

        @pl.loop(0, 128, step=16)
        def _(i):
            ones_v[pl.ds(i, 16)] = jnp.full((16,), 1.0, jnp.float32)

        @pl.loop(0, ZCH, step=16)
        def _(i):
            zero_v[pl.ds(i, 16)] = jnp.zeros((16,), jnp.float32)

        pltpu.sync_copy(zero_v, hist_sh.at[pl.ds(sid * ZCH, ZCH)])
        plsc.subcore_barrier()

        cp_x.wait()
        cp_y.wait()

        @pl.loop(0, ROWS)
        def _(r):
            @pl.loop(0, 128, step=16)
            def _(cc):
                off = r * 128 + cc
                x = x_v[pl.ds(off, 16)]
                y = y_v[pl.ds(off, 16)]
                ix = (x * 256.0).astype(jnp.int32)
                iy = (y * 256.0).astype(jnp.int32)
                ix = jnp.minimum(jnp.maximum(ix, 0), RES - 1)
                iy = jnp.minimum(jnp.maximum(iy, 0), RES - 1)
                idx_v[r, pl.ds(cc, 16)] = ix * RES + iy
            pltpu.async_copy(ones_v, hist_sh.at[idx_v.at[r]], sem_sc,
                             add=True)

        @pl.loop(0, ROWS)
        def _(r):
            pltpu.make_async_copy(ones_v, hist_sh.at[idx_v.at[r]],
                                  sem_sc).wait()

        plsc.subcore_barrier()

        pltpu.sync_copy(hist_sh.at[pl.ds(sid * ZCH, ZCH)],
                        out_hbm.at[cid, pl.ds(sid * ZCH, ZCH)])

    return hist_kernel(pos_t)


def _layout_body(rp_ref, wall_ref, out_ref):
    xi = lax.broadcasted_iota(jnp.int32, (RES, RES), 0).astype(jnp.float32) * (
        1.0 / (RES - 1))
    yj = lax.broadcasted_iota(jnp.int32, (RES, RES), 1).astype(jnp.float32) * (
        1.0 / (RES - 1))
    inv_wall = 1.0 - wall_ref[...]
    for r in range(NUM_ROOMS):
        cx = rp_ref[r, 0]
        cy = rp_ref[r, 1]
        sx = rp_ref[r, 2]
        sy = rp_ref[r, 3]
        dx = xi - cx
        dy = yj - cy
        e = jnp.exp(-(dx * dx / (2.0 * sx * sx) + dy * dy / (2.0 * sy * sy)))
        out_ref[r] = e * inv_wall


def _tc_layout(room_params, wall_density):
    return pl.pallas_call(
        _layout_body,
        in_specs=[
            pl.BlockSpec(memory_space=pltpu.SMEM),
            pl.BlockSpec((RES, RES), lambda: (0, 0)),
        ],
        out_specs=pl.BlockSpec((NUM_ROOMS, RES, RES), lambda: (0, 0, 0)),
        out_shape=jax.ShapeDtypeStruct((NUM_ROOMS, RES, RES), jnp.float32),
    )(room_params, wall_density)


def _flow_body(p_ref, out_ref):
    h = p_ref[0, :] + p_ref[1, :]
    lin = lax.broadcasted_iota(jnp.int32, (NBINS,), 0)
    h = h - jnp.where(lin == 0, jnp.float32(PAD_COUNT), 0.0)
    m = jnp.max(h)
    out_ref[...] = jnp.reshape(h / (m + 1e-6), (RES, RES))


def _tc_flow(partial):
    return pl.pallas_call(
        _flow_body,
        out_shape=jax.ShapeDtypeStruct((RES, RES), jnp.float32),
    )(partial)


def kernel(agent_positions, room_params, wall_density):
    pos_t = jnp.pad(agent_positions.T, ((0, 0), (0, PAD_N - N_AGENTS)))
    partial = _sc_histogram(pos_t)
    dynamic_layout = _tc_layout(room_params, wall_density)
    flow_field = _tc_flow(partial)
    return dynamic_layout, flow_field

# --- scband reference (transcript-rebuilt; emitter-appended) ---
"""Pipeline reference for scband-differentiable-floor-plan-39608188403885 (READ-ONLY COPY).

The authoritative reference and input builder live on the scoring server;
editing this copy changes nothing except your own understanding.
"""

import jax, jax.numpy as jnp
import numpy as np

RES = 256
NUM_ROOMS = 16
N_AGENTS = 200000


def setup_inputs(seed: int = 0) -> dict:
    key = jax.random.key(seed)
    k1, k2, k3 = jax.random.split(key, 3)
    agent_positions = jax.random.uniform(k1, (N_AGENTS, 2), dtype=jnp.float32)
    rp = jax.random.uniform(k2, (NUM_ROOMS, 4), dtype=jnp.float32)
    rp = rp.at[:, 2:].set(rp[:, 2:] * 0.1 + 0.05)
    wall_density = jax.random.uniform(k3, (RES, RES), dtype=jnp.float32)
    return {"agent_positions": agent_positions, "room_params": rp, "wall_density": wall_density}


def reference(agent_positions, room_params, wall_density):
    res = wall_density.shape[0]
    lin = jnp.linspace(0.0, 1.0, res)
    x_grid, y_grid = jnp.meshgrid(lin, lin, indexing='ij')
    cx = room_params[:, 0][:, None, None]
    cy = room_params[:, 1][:, None, None]
    sx = room_params[:, 2][:, None, None]
    sy = room_params[:, 3][:, None, None]
    spatial_layout = jnp.exp(-((x_grid[None, :, :] - cx) ** 2 / (2.0 * sx ** 2)
                               + (y_grid[None, :, :] - cy) ** 2 / (2.0 * sy ** 2)))
    ix = jnp.clip((agent_positions[:, 0] * res).astype(jnp.int32), 0, res - 1)
    iy = jnp.clip((agent_positions[:, 1] * res).astype(jnp.int32), 0, res - 1)
    flow_field = jnp.zeros((res, res), dtype=wall_density.dtype).at[ix, iy].add(1.0)
    flow_field = flow_field / (flow_field.max() + 1e-06)
    dynamic_layout = spatial_layout * (1.0 - wall_density[None, :, :])
    return (dynamic_layout, flow_field)

if __name__ == "__main__":
    import jax
    _d = setup_inputs()
    print(jax.jit(kernel)(*tuple(_d.values())))

</pallas_src>

<mosaic_0001>
#map = affine_map<(d0, d1) -> (0, 0)>
module attributes {stable_mosaic.version = 14 : i64} {
  func.func @hist_kernel(%arg0: i32, %arg1: i32, %arg2: memref<2x200704xf32, #tpu.memory_space<hbm>>, %arg3: memref<2x65536xf32, #tpu.memory_space<hbm>>, %arg4: memref<6272xf32, #tpu.memory_space<vmem>>, %arg5: memref<6272xf32, #tpu.memory_space<vmem>>, %arg6: memref<49x128xi32, #tpu.memory_space<vmem>>, %arg7: memref<128xf32, #tpu.memory_space<vmem>>, %arg8: memref<4096xf32, #tpu.memory_space<vmem>>, %arg9: memref<65536xf32, #tpu.memory_space<vmem_shared>>, %arg10: memref<!tpu.dma_semaphore, #tpu.memory_space<semaphore_mem>>, %arg11: memref<!tpu.dma_semaphore, #tpu.memory_space<semaphore_mem>>) attributes {dimension_semantics = [#tpu.dimension_semantics<core_parallel>, #tpu.dimension_semantics<subcore_parallel>], iteration_bounds = array<i64: 2, 16>, scalar_prefetch = 0 : i64, scratch_operands = 8 : i64, tpu.core_type = #tpu.core_type<sc_vector_subcore>, window_params = [{transform_indices = #map}, {transform_indices = #map}]} {
    %mul3A = arith.constant 2 : i32
    %mul3A_0 = arith.muli %arg1, %mul3A : i32
    %add3A = arith.addi %mul3A_0, %arg0 : i32
    %mul3A_1 = arith.constant 6272 : i32
    %mul3A_2 = arith.muli %add3A, %mul3A_1 : i32
    %dma_start3A = arith.constant 0 : i32
    %dma_start3A_3 = tpu.memref_slice %arg2[%dma_start3A, %mul3A_2] : memref<2x200704xf32, #tpu.memory_space<hbm>> -> memref<1x6272xf32, #tpu.memory_space<hbm>>
    %dma_start3A_4 = tpu.memref_squeeze %dma_start3A_3 : memref<1x6272xf32, #tpu.memory_space<hbm>> -> memref<6272xf32, #tpu.memory_space<hbm>>
    %dma_start3A_5 = tpu.memref_slice %arg2[%dma_start3A, %mul3A_2] : memref<2x200704xf32, #tpu.memory_space<hbm>> -> memref<1x6272xf32, #tpu.memory_space<hbm>>
    %dma_start3A_6 = tpu.memref_squeeze %dma_start3A_5 : memref<1x6272xf32, #tpu.memory_space<hbm>> -> memref<6272xf32, #tpu.memory_space<hbm>>
    tpu.enqueue_dma source(%dma_start3A_6 : memref<6272xf32, #tpu.memory_space<hbm>>) target(%arg4 : memref<6272xf32, #tpu.memory_space<vmem>>) target_semaphore(%arg10 : memref<!tpu.dma_semaphore, #tpu.memory_space<semaphore_mem>>)
    %dma_start3A_7 = arith.constant 1 : i32
    %dma_start3A_8 = tpu.memref_slice %arg2[%dma_start3A_7, %mul3A_2] : memref<2x200704xf32, #tpu.memory_space<hbm>> -> memref<1x6272xf32, #tpu.memory_space<hbm>>
    %dma_start3A_9 = tpu.memref_squeeze %dma_start3A_8 : memref<1x6272xf32, #tpu.memory_space<hbm>> -> memref<6272xf32, #tpu.memory_space<hbm>>
    %dma_start3A_10 = tpu.memref_slice %arg2[%dma_start3A_7, %mul3A_2] : memref<2x200704xf32, #tpu.memory_space<hbm>> -> memref<1x6272xf32, #tpu.memory_space<hbm>>
    %dma_start3A_11 = tpu.memref_squeeze %dma_start3A_10 : memref<1x6272xf32, #tpu.memory_space<hbm>> -> memref<6272xf32, #tpu.memory_space<hbm>>
    tpu.enqueue_dma source(%dma_start3A_11 : memref<6272xf32, #tpu.memory_space<hbm>>) target(%arg5 : memref<6272xf32, #tpu.memory_space<vmem>>) target_semaphore(%arg10 : memref<!tpu.dma_semaphore, #tpu.memory_space<semaphore_mem>>)
    %scan3A = arith.constant 0 : i32
    %scan3A_12 = arith.constant 8 : i32
    %scan3A_13 = arith.addi %scan3A, %scan3A_12 : i32
    %scan3A_14 = arith.constant 1 : i32
    scf.for %scan3A_47 = %scan3A to %scan3A_13 step %scan3A_14  : i32 {
      %mul3A_48 = arith.constant 16 : i32
      %mul3A_49 = arith.muli %scan3A_47, %mul3A_48 : i32
      %add3A_50 = arith.constant 0 : i32
      %add3A_51 = arith.addi %add3A_50, %mul3A_49 : i32
      %broadcast_in_dim3A = arith.constant 1.000000e+00 : f32
      %broadcast_in_dim3A_52 = vector.broadcast %broadcast_in_dim3A : f32 to vector<16xf32>
      %swap3A = arith.index_cast %add3A_51 : i32 to index
      %swap3A_53 = tpu.vector_load %arg7[%swap3A] {strides = array<i32>} : memref<128xf32, #tpu.memory_space<vmem>>, vector<16xf32>,
      %swap3A_54 = vector.shape_cast %swap3A_53 : vector<16xf32> to vector<16xf32>
      %swap3A_55 = vector.shape_cast %broadcast_in_dim3A_52 : vector<16xf32> to vector<16xf32>
      tpu.vector_store %arg7[%swap3A], %swap3A_55 {strides = array<i32>} : memref<128xf32, #tpu.memory_space<vmem>>, vector<16xf32>,
    }
    %scan3A_15 = arith.constant 8 : i32
    %scan3A_16 = arith.constant 0 : i32
    %scan3A_17 = arith.constant 256 : i32
    %scan3A_18 = arith.addi %scan3A_16, %scan3A_17 : i32
    %scan3A_19 = arith.constant 1 : i32
    scf.for %scan3A_47 = %scan3A_16 to %scan3A_18 step %scan3A_19  : i32 {
      %mul3A_48 = arith.constant 16 : i32
      %mul3A_49 = arith.muli %scan3A_47, %mul3A_48 : i32
      %add3A_50 = arith.constant 0 : i32
      %add3A_51 = arith.addi %add3A_50, %mul3A_49 : i32
      %broadcast_in_dim3A = arith.constant 0.000000e+00 : f32
      %broadcast_in_dim3A_52 = vector.broadcast %broadcast_in_dim3A : f32 to vector<16xf32>
      %swap3A = arith.index_cast %add3A_51 : i32 to index
      %swap3A_53 = tpu.vector_load %arg8[%swap3A] {strides = array<i32>} : memref<4096xf32, #tpu.memory_space<vmem>>, vector<16xf32>,
      %swap3A_54 = vector.shape_cast %swap3A_53 : vector<16xf32> to vector<16xf32>
      %swap3A_55 = vector.shape_cast %broadcast_in_dim3A_52 : vector<16xf32> to vector<16xf32>
      tpu.vector_store %arg8[%swap3A], %swap3A_55 {strides = array<i32>} : memref<4096xf32, #tpu.memory_space<vmem>>, vector<16xf32>,
    }
    %scan3A_20 = arith.constant 256 : i32
    %mul3A_21 = arith.constant 4096 : i32
    %mul3A_22 = arith.muli %arg1, %mul3A_21 : i32
    "tpu.region"() ({
      %run_scoped3A = tpu.sem_alloc : memref<!tpu.dma_semaphore, #tpu.memory_space<semaphore_mem>>
      %dma_start3A_47 = tpu.memref_slice %arg9[%mul3A_22] : memref<65536xf32, #tpu.memory_space<vmem_shared>> -> memref<4096xf32, #tpu.memory_space<vmem_shared>>
      %dma_start3A_48 = tpu.memref_slice %arg9[%mul3A_22] : memref<65536xf32, #tpu.memory_space<vmem_shared>> -> memref<4096xf32, #tpu.memory_space<vmem_shared>>
      tpu.enqueue_dma source(%arg8 : memref<4096xf32, #tpu.memory_space<vmem>>) target(%dma_start3A_48 : memref<4096xf32, #tpu.memory_space<vmem_shared>>) target_semaphore(%run_scoped3A : memref<!tpu.dma_semaphore, #tpu.memory_space<semaphore_mem>>)
      %dma_wait3A_49 = tpu.memref_slice %arg9[%mul3A_22] : memref<65536xf32, #tpu.memory_space<vmem_shared>> -> memref<4096xf32, #tpu.memory_space<vmem_shared>>
      %dma_wait3A_50 = tpu.memref_slice %arg9[%mul3A_22] : memref<65536xf32, #tpu.memory_space<vmem_shared>> -> memref<4096xf32, #tpu.memory_space<vmem_shared>>
      tpu.wait_dma2 semaphore(%run_scoped3A : memref<!tpu.dma_semaphore, #tpu.memory_space<semaphore_mem>>) src(%arg8 : memref<4096xf32, #tpu.memory_space<vmem>>) dst(%dma_wait3A_50 : memref<4096xf32, #tpu.memory_space<vmem_shared>>)
      tpu.yield
    }) : () -> ()
    %barrier3A = arith.constant 0 : index
    tpu.barrier barrier_id(%barrier3A)
    %dma_wait3A = arith.constant 0 : i32
    %dma_wait3A_23 = tpu.memref_slice %arg2[%dma_wait3A, %mul3A_2] : memref<2x200704xf32, #tpu.memory_space<hbm>> -> memref<1x6272xf32, #tpu.memory_space<hbm>>
    %dma_wait3A_24 = tpu.memref_squeeze %dma_wait3A_23 : memref<1x6272xf32, #tpu.memory_space<hbm>> -> memref<6272xf32, #tpu.memory_space<hbm>>
    %dma_wait3A_25 = tpu.memref_slice %arg2[%dma_wait3A, %mul3A_2] : memref<2x200704xf32, #tpu.memory_space<hbm>> -> memref<1x6272xf32, #tpu.memory_space<hbm>>
    %dma_wait3A_26 = tpu.memref_squeeze %dma_wait3A_25 : memref<1x6272xf32, #tpu.memory_space<hbm>> -> memref<6272xf32, #tpu.memory_space<hbm>>
    tpu.wait_dma2 semaphore(%arg10 : memref<!tpu.dma_semaphore, #tpu.memory_space<semaphore_mem>>) src(%dma_wait3A_26 : memref<6272xf32, #tpu.memory_space<hbm>>) dst(%arg4 : memref<6272xf32, #tpu.memory_space<vmem>>)
    %dma_wait3A_27 = arith.constant 1 : i32
    %dma_wait3A_28 = tpu.memref_slice %arg2[%dma_wait3A_27, %mul3A_2] : memref<2x200704xf32, #tpu.memory_space<hbm>> -> memref<1x6272xf32, #tpu.memory_space<hbm>>
    %dma_wait3A_29 = tpu.memref_squeeze %dma_wait3A_28 : memref<1x6272xf32, #tpu.memory_space<hbm>> -> memref<6272xf32, #tpu.memory_space<hbm>>
    %dma_wait3A_30 = tpu.memref_slice %arg2[%dma_wait3A_27, %mul3A_2] : memref<2x200704xf32, #tpu.memory_space<hbm>> -> memref<1x6272xf32, #tpu.memory_space<hbm>>
    %dma_wait3A_31 = tpu.memref_squeeze %dma_wait3A_30 : memref<1x6272xf32, #tpu.memory_space<hbm>> -> memref<6272xf32, #tpu.memory_space<hbm>>
    tpu.wait_dma2 semaphore(%arg10 : memref<!tpu.dma_semaphore, #tpu.memory_space<semaphore_mem>>) src(%dma_wait3A_31 : memref<6272xf32, #tpu.memory_space<hbm>>) dst(%arg5 : memref<6272xf32, #tpu.memory_space<vmem>>)
    %scan3A_32 = arith.constant 0 : i32
    %scan3A_33 = arith.constant 49 : i32
    %scan3A_34 = arith.addi %scan3A_32, %scan3A_33 : i32
    %scan3A_35 = arith.constant 1 : i32
    scf.for %scan3A_47 = %scan3A_32 to %scan3A_34 step %scan3A_35  : i32 {
      %mul3A_48 = arith.constant 1 : i32
      %mul3A_49 = arith.muli %scan3A_47, %mul3A_48 : i32
      %add3A_50 = arith.constant 0 : i32
      %add3A_51 = arith.addi %add3A_50, %mul3A_49 : i32
      %scan3A_52 = arith.constant 0 : i32
      %scan3A_53 = arith.constant 8 : i32
      %scan3A_54 = arith.addi %scan3A_52, %scan3A_53 : i32
      %scan3A_55 = arith.constant 1 : i32
      scf.for %scan3A_62 = %scan3A_52 to %scan3A_54 step %scan3A_55  : i32 {
        %mul3A_63 = arith.constant 16 : i32
        %mul3A_64 = arith.muli %scan3A_62, %mul3A_63 : i32
        %add3A_65 = arith.constant 0 : i32
        %add3A_66 = arith.addi %add3A_65, %mul3A_64 : i32
        %mul3A_67 = arith.constant 128 : i32
        %mul3A_68 = arith.muli %add3A_51, %mul3A_67 : i32
        %add3A_69 = arith.addi %mul3A_68, %add3A_66 : i32
        %get3A = arith.index_cast %add3A_69 : i32 to index
        %get3A_70 = tpu.vector_load %arg4[%get3A] {strides = array<i32>} : memref<6272xf32, #tpu.memory_space<vmem>>, vector<16xf32>,
        %get3A_71 = vector.shape_cast %get3A_70 : vector<16xf32> to vector<16xf32>
        %get3A_72 = arith.index_cast %add3A_69 : i32 to index
        %get3A_73 = tpu.vector_load %arg5[%get3A_72] {strides = array<i32>} : memref<6272xf32, #tpu.memory_space<vmem>>, vector<16xf32>,
        %get3A_74 = vector.shape_cast %get3A_73 : vector<16xf32> to vector<16xf32>
        %mul3A_75 = arith.constant 2.560000e+02 : f32
        %mul3A_76 = vector.broadcast %mul3A_75 : f32 to vector<16xf32>
        %mul3A_77 = arith.mulf %get3A_71, %mul3A_76 : vector<16xf32>
        %convert_element_type3A = arith.fptosi %mul3A_77 : vector<16xf32> to vector<16xi32>
        %mul3A_78 = arith.constant 2.560000e+02 : f32
        %mul3A_79 = vector.broadcast %mul3A_78 : f32 to vector<16xf32>
        %mul3A_80 = arith.mulf %get3A_74, %mul3A_79 : vector<16xf32>
        %convert_element_type3A_81 = arith.fptosi %mul3A_80 : vector<16xf32> to vector<16xi32>
        %max3A = arith.constant 0 : i32
        %max3A_82 = vector.broadcast %max3A : i32 to vector<16xi32>
        %max3A_83 = arith.maxsi %convert_element_type3A, %max3A_82 : vector<16xi32>
        %min3A = arith.constant 255 : i32
        %min3A_84 = vector.broadcast %min3A : i32 to vector<16xi32>
        %min3A_85 = arith.minsi %max3A_83, %min3A_84 : vector<16xi32>
        %max3A_86 = arith.constant 0 : i32
        %max3A_87 = vector.broadcast %max3A_86 : i32 to vector<16xi32>
        %max3A_88 = arith.maxsi %convert_element_type3A_81, %max3A_87 : vector<16xi32>
        %min3A_89 = arith.constant 255 : i32
        %min3A_90 = vector.broadcast %min3A_89 : i32 to vector<16xi32>
        %min3A_91 = arith.minsi %max3A_88, %min3A_90 : vector<16xi32>
        %mul3A_92 = arith.constant 256 : i32
        %mul3A_93 = vector.broadcast %mul3A_92 : i32 to vector<16xi32>
        %mul3A_94 = arith.muli %min3A_85, %mul3A_93 : vector<16xi32>
        %add3A_95 = arith.addi %mul3A_94, %min3A_91 : vector<16xi32>
        %swap3A = arith.index_cast %add3A_51 : i32 to index
        %swap3A_96 = arith.index_cast %add3A_66 : i32 to index
        %swap3A_97 = tpu.vector_load %arg6[%swap3A, %swap3A_96] {strides = array<i32>} : memref<49x128xi32, #tpu.memory_space<vmem>>, vector<1x16xi32>,
        %swap3A_98 = vector.shape_cast %swap3A_97 : vector<1x16xi32> to vector<16xi32>
        %swap3A_99 = vector.shape_cast %add3A_95 : vector<16xi32> to vector<1x16xi32>
        tpu.vector_store %arg6[%swap3A, %swap3A_96], %swap3A_99 {strides = array<i32>} : memref<49x128xi32, #tpu.memory_space<vmem>>, vector<1x16xi32>,
      }
      %scan3A_56 = arith.constant 8 : i32
      %dma_start3A_57 = arith.constant 0 : i32
      %dma_start3A_58 = tpu.memref_slice %arg6[%add3A_51, %dma_start3A_57] : memref<49x128xi32, #tpu.memory_space<vmem>> -> memref<1x128xi32, #tpu.memory_space<vmem>>
      %dma_start3A_59 = tpu.memref_squeeze %dma_start3A_58 : memref<1x128xi32, #tpu.memory_space<vmem>> -> memref<128xi32, #tpu.memory_space<vmem>>
      %dma_start3A_60 = arith.constant 0 : i32
      %dma_start3A_61 = tpu.memref_slice %arg9[%dma_start3A_60] : memref<65536xf32, #tpu.memory_space<vmem_shared>> -> memref<65536xf32, #tpu.memory_space<vmem_shared>>
      tpu.enqueue_indirect_dma source(%arg7 : memref<128xf32, #tpu.memory_space<vmem>>) target(%dma_start3A_61 : memref<65536xf32, #tpu.memory_space<vmem_shared>>) offsets(%dma_start3A_59 : memref<128xi32, #tpu.memory_space<vmem>>) semaphore(%arg11 : memref<!tpu.dma_semaphore, #tpu.memory_space<semaphore_mem>>) {add = true}
    }
    %scan3A_36 = arith.constant 49 : i32
    %scan3A_37 = arith.constant 0 : i32
    %scan3A_38 = arith.constant 49 : i32
    %scan3A_39 = arith.addi %scan3A_37, %scan3A_38 : i32
    %scan3A_40 = arith.constant 1 : i32
    scf.for %scan3A_47 = %scan3A_37 to %scan3A_39 step %scan3A_40  : i32 {
      %mul3A_48 = arith.constant 1 : i32
      %mul3A_49 = arith.muli %scan3A_47, %mul3A_48 : i32
      %add3A_50 = arith.constant 0 : i32
      %add3A_51 = arith.addi %add3A_50, %mul3A_49 : i32
      %dma_wait3A_52 = arith.constant 0 : i32
      %dma_wait3A_53 = tpu.memref_slice %arg6[%add3A_51, %dma_wait3A_52] : memref<49x128xi32, #tpu.memory_space<vmem>> -> memref<1x128xi32, #tpu.memory_space<vmem>>
      %dma_wait3A_54 = tpu.memref_squeeze %dma_wait3A_53 : memref<1x128xi32, #tpu.memory_space<vmem>> -> memref<128xi32, #tpu.memory_space<vmem>>
      %dma_wait3A_55 = arith.constant 0 : i32
      %dma_wait3A_56 = tpu.memref_slice %arg9[%dma_wait3A_55] : memref<65536xf32, #tpu.memory_space<vmem_shared>> -> memref<65536xf32, #tpu.memory_space<vmem_shared>>
      tpu.wait_indirect_dma semaphore(%arg11 : memref<!tpu.dma_semaphore, #tpu.memory_space<semaphore_mem>>) src(%arg7 : memref<128xf32, #tpu.memory_space<vmem>>) dst(%dma_wait3A_56 : memref<65536xf32, #tpu.memory_space<vmem_shared>>)
    }
    %scan3A_41 = arith.constant 49 : i32
    %barrier3A_42 = arith.constant 0 : index
    tpu.barrier barrier_id(%barrier3A_42)
    %mul3A_43 = arith.constant 4096 : i32
    %mul3A_44 = arith.muli %arg1, %mul3A_43 : i32
    %mul3A_45 = arith.constant 4096 : i32
    %mul3A_46 = arith.muli %arg1, %mul3A_45 : i32
    "tpu.region"() ({
      %run_scoped3A = tpu.sem_alloc : memref<!tpu.dma_semaphore, #tpu.memory_space<semaphore_mem>>
      %dma_start3A_47 = tpu.memref_slice %arg3[%arg0, %mul3A_46] : memref<2x65536xf32, #tpu.memory_space<hbm>> -> memref<1x4096xf32, #tpu.memory_space<hbm>>
      %dma_start3A_48 = tpu.memref_squeeze %dma_start3A_47 : memref<1x4096xf32, #tpu.memory_space<hbm>> -> memref<4096xf32, #tpu.memory_space<hbm>>
      %dma_start3A_49 = tpu.memref_slice %arg9[%mul3A_44] : memref<65536xf32, #tpu.memory_space<vmem_shared>> -> memref<4096xf32, #tpu.memory_space<vmem_shared>>
      tpu.enqueue_dma source(%dma_start3A_49 : memref<4096xf32, #tpu.memory_space<vmem_shared>>) target(%dma_start3A_48 : memref<4096xf32, #tpu.memory_space<hbm>>) target_semaphore(%run_scoped3A : memref<!tpu.dma_semaphore, #tpu.memory_space<semaphore_mem>>)
      %dma_wait3A_50 = tpu.memref_slice %arg3[%arg0, %mul3A_46] : memref<2x65536xf32, #tpu.memory_space<hbm>> -> memref<1x4096xf32, #tpu.memory_space<hbm>>
      %dma_wait3A_51 = tpu.memref_squeeze %dma_wait3A_50 : memref<1x4096xf32, #tpu.memory_space<hbm>> -> memref<4096xf32, #tpu.memory_space<hbm>>
      %dma_wait3A_52 = tpu.memref_slice %arg9[%mul3A_44] : memref<65536xf32, #tpu.memory_space<vmem_shared>> -> memref<4096xf32, #tpu.memory_space<vmem_shared>>
      tpu.wait_dma2 semaphore(%run_scoped3A : memref<!tpu.dma_semaphore, #tpu.memory_space<semaphore_mem>>) src(%dma_wait3A_52 : memref<4096xf32, #tpu.memory_space<vmem_shared>>) dst(%dma_wait3A_51 : memref<4096xf32, #tpu.memory_space<hbm>>)
      tpu.yield
    }) : () -> ()
    return
  }
}

module attributes {stable_mosaic.version = 14 : i64} {
  func.func @_flow_body(%arg0: memref<2x65536xf32, #tpu.memory_space<vmem>>, %arg1: memref<256x256xf32, #tpu.memory_space<vmem>>) attributes {dimension_semantics = [], scalar_prefetch = 0 : i64, scratch_operands = 0 : i64, tpu.core_type = #tpu.core_type<tc>} {
    %get3A = arith.constant 0 : index
    %get3A_0 = arith.constant 0 : index
    %get3A_1 = vector.load %arg0[%get3A, %get3A_0] : memref<2x65536xf32, #tpu.memory_space<vmem>>, vector<1x65536xf32>
    %get3A_2 = vector.shape_cast %get3A_1 : vector<1x65536xf32> to vector<65536xf32>
    %get3A_3 = arith.constant 1 : index
    %get3A_4 = arith.constant 0 : index
    %get3A_5 = vector.load %arg0[%get3A_3, %get3A_4] : memref<2x65536xf32, #tpu.memory_space<vmem>>, vector<1x65536xf32>
    %get3A_6 = vector.shape_cast %get3A_5 : vector<1x65536xf32> to vector<65536xf32>
    %add3A = arith.addf %get3A_2, %get3A_6 : vector<65536xf32>
    %iota3A = tpu.iota {dimensions = array<i32: 1>} : vector<1x65536xi32>
    %iota3A_7 = vector.shape_cast %iota3A : vector<1x65536xi32> to vector<65536xi32>
    %eq3A = arith.constant 0 : i32
    %eq3A_8 = vector.broadcast %eq3A : i32 to vector<65536xi32>
    %eq3A_9 = arith.cmpi eq, %iota3A_7, %eq3A_8 : vector<65536xi32>
    %jit3A = arith.constant 7.040000e+02 : f32
    %jit3A_10 = arith.constant 0.000000e+00 : f32
    %broadcast_in_dim3A = vector.broadcast %jit3A : f32 to vector<65536xf32>
    %broadcast_in_dim3A_11 = vector.broadcast %jit3A_10 : f32 to vector<65536xf32>
    %select_n3A = arith.select %eq3A_9, %broadcast_in_dim3A, %broadcast_in_dim3A_11 : vector<65536xi1>, vector<65536xf32>
    %sub3A = arith.subf %add3A, %select_n3A : vector<65536xf32>
    %reduce_max3A = vector.shape_cast %sub3A : vector<65536xf32> to vector<1x65536xf32>
    %reduce_max3A_12 = arith.constant dense<0xFF800000> : vector<1xf32>
    %reduce_max3A_13 = vector.multi_reduction <maximumf>, %reduce_max3A, %reduce_max3A_12 [1] : vector<1x65536xf32> to vector<1xf32>
    %reduce_max3A_14 = vector.shape_cast %reduce_max3A_13 : vector<1xf32> to vector<1x1xf32>
    %reduce_max3A_15 = vector.extract %reduce_max3A_14[0, 0] : f32 from vector<1x1xf32>
    %add3A_16 = arith.constant 9.99999997E-7 : f32
    %add3A_17 = arith.addf %reduce_max3A_15, %add3A_16 : f32
    %div3A = vector.broadcast %add3A_17 : f32 to vector<65536xf32>
    %div3A_18 = arith.divf %sub3A, %div3A : vector<65536xf32>
    %reshape3A = vector.shape_cast %div3A_18 : vector<65536xf32> to vector<256x256xf32>
    %swap3A = arith.constant 0 : index
    %swap3A_19 = arith.constant 0 : index
    %swap3A_20 = vector.load %arg1[%swap3A, %swap3A_19] : memref<256x256xf32, #tpu.memory_space<vmem>>, vector<256x256xf32>
    tpu.vector_store %arg1[%swap3A, %swap3A_19], %reshape3A {strides = array<i32>} : memref<256x256xf32, #tpu.memory_space<vmem>>, vector<256x256xf32>,
    return
  }
}

module attributes {stable_mosaic.version = 14 : i64} {
  func.func @_layout_body(%arg0: memref<16x4xf32, #tpu.memory_space<smem>>, %arg1: memref<256x256xf32, #tpu.memory_space<vmem>>, %arg2: memref<16x256x256xf32, #tpu.memory_space<vmem>>) attributes {dimension_semantics = [], scalar_prefetch = 0 : i64, scratch_operands = 0 : i64, tpu.core_type = #tpu.core_type<tc>} {
    %iota3A = tpu.iota {dimensions = array<i32: 0>} : vector<256x256xi32>
    %convert_element_type3A = arith.sitofp %iota3A : vector<256x256xi32> to vector<256x256xf32>
    %mul3A = arith.constant 0.00392156886 : f32
    %mul3A_0 = vector.broadcast %mul3A : f32 to vector<256x256xf32>
    %mul3A_1 = arith.mulf %convert_element_type3A, %mul3A_0 : vector<256x256xf32>
    %iota3A_2 = tpu.iota {dimensions = array<i32: 1>} : vector<256x256xi32>
    %convert_element_type3A_3 = arith.sitofp %iota3A_2 : vector<256x256xi32> to vector<256x256xf32>
    %mul3A_4 = arith.constant 0.00392156886 : f32
    %mul3A_5 = vector.broadcast %mul3A_4 : f32 to vector<256x256xf32>
    %mul3A_6 = arith.mulf %convert_element_type3A_3, %mul3A_5 : vector<256x256xf32>
    %get3A = arith.constant 0 : index
    %get3A_7 = arith.constant 0 : index
    %get3A_8 = vector.load %arg1[%get3A, %get3A_7] : memref<256x256xf32, #tpu.memory_space<vmem>>, vector<256x256xf32>
    %sub3A = arith.constant 1.000000e+00 : f32
    %sub3A_9 = vector.broadcast %sub3A : f32 to vector<256x256xf32>
    %sub3A_10 = arith.subf %sub3A_9, %get3A_8 : vector<256x256xf32>
    %get3A_11 = arith.constant 0 : index
    %get3A_12 = arith.constant 0 : index
    %get3A_13 = memref.load %arg0[%get3A_11, %get3A_12] : memref<16x4xf32, #tpu.memory_space<smem>>
    %get3A_14 = arith.constant 0 : index
    %get3A_15 = arith.constant 1 : index
    %get3A_16 = memref.load %arg0[%get3A_14, %get3A_15] : memref<16x4xf32, #tpu.memory_space<smem>>
    %get3A_17 = arith.constant 0 : index
    %get3A_18 = arith.constant 2 : index
    %get3A_19 = memref.load %arg0[%get3A_17, %get3A_18] : memref<16x4xf32, #tpu.memory_space<smem>>
    %get3A_20 = arith.constant 0 : index
    %get3A_21 = arith.constant 3 : index
    %get3A_22 = memref.load %arg0[%get3A_20, %get3A_21] : memref<16x4xf32, #tpu.memory_space<smem>>
    %sub3A_23 = vector.broadcast %get3A_13 : f32 to vector<256x256xf32>
    %sub3A_24 = arith.subf %mul3A_1, %sub3A_23 : vector<256x256xf32>
    %sub3A_25 = vector.broadcast %get3A_16 : f32 to vector<256x256xf32>
    %sub3A_26 = arith.subf %mul3A_6, %sub3A_25 : vector<256x256xf32>
    %mul3A_27 = arith.mulf %sub3A_24, %sub3A_24 : vector<256x256xf32>
    %mul3A_28 = arith.constant 2.000000e+00 : f32
    %mul3A_29 = arith.mulf %mul3A_28, %get3A_19 : f32
    %mul3A_30 = arith.mulf %mul3A_29, %get3A_19 : f32
    %div3A = vector.broadcast %mul3A_30 : f32 to vector<256x256xf32>
    %div3A_31 = arith.divf %mul3A_27, %div3A : vector<256x256xf32>
    %mul3A_32 = arith.mulf %sub3A_26, %sub3A_26 : vector<256x256xf32>
    %mul3A_33 = arith.constant 2.000000e+00 : f32
    %mul3A_34 = arith.mulf %mul3A_33, %get3A_22 : f32
    %mul3A_35 = arith.mulf %mul3A_34, %get3A_22 : f32
    %div3A_36 = vector.broadcast %mul3A_35 : f32 to vector<256x256xf32>
    %div3A_37 = arith.divf %mul3A_32, %div3A_36 : vector<256x256xf32>
    %add3A = arith.addf %div3A_31, %div3A_37 : vector<256x256xf32>
    %neg3A = arith.constant 0.000000e+00 : f32
    %neg3A_38 = vector.broadcast %neg3A : f32 to vector<256x256xf32>
    %neg3A_39 = arith.subf %neg3A_38, %add3A : vector<256x256xf32>
    %exp3A = math.exp %neg3A_39 : vector<256x256xf32>
    %mul3A_40 = arith.mulf %exp3A, %sub3A_10 : vector<256x256xf32>
    %swap3A = arith.constant 0 : index
    %swap3A_41 = arith.constant 0 : index
    %swap3A_42 = arith.constant 0 : index
    %swap3A_43 = vector.load %arg2[%swap3A, %swap3A_41, %swap3A_42] : memref<16x256x256xf32, #tpu.memory_space<vmem>>, vector<1x256x256xf32>
    %swap3A_44 = vector.shape_cast %swap3A_43 : vector<1x256x256xf32> to vector<256x256xf32>
    %swap3A_45 = vector.shape_cast %mul3A_40 : vector<256x256xf32> to vector<1x256x256xf32>
    tpu.vector_store %arg2[%swap3A, %swap3A_41, %swap3A_42], %swap3A_45 {strides = array<i32>} : memref<16x256x256xf32, #tpu.memory_space<vmem>>, vector<1x256x256xf32>,
    %get3A_46 = arith.constant 1 : index
    %get3A_47 = arith.constant 0 : index
    %get3A_48 = memref.load %arg0[%get3A_46, %get3A_47] : memref<16x4xf32, #tpu.memory_space<smem>>
    %get3A_49 = arith.constant 1 : index
    %get3A_50 = arith.constant 1 : index
    %get3A_51 = memref.load %arg0[%get3A_49, %get3A_50] : memref<16x4xf32, #tpu.memory_space<smem>>
    %get3A_52 = arith.constant 1 : index
    %get3A_53 = arith.constant 2 : index
    %get3A_54 = memref.load %arg0[%get3A_52, %get3A_53] : memref<16x4xf32, #tpu.memory_space<smem>>
    %get3A_55 = arith.constant 1 : index
    %get3A_56 = arith.constant 3 : index
    %get3A_57 = memref.load %arg0[%get3A_55, %get3A_56] : memref<16x4xf32, #tpu.memory_space<smem>>
    %sub3A_58 = vector.broadcast %get3A_48 : f32 to vector<256x256xf32>
    %sub3A_59 = arith.subf %mul3A_1, %sub3A_58 : vector<256x256xf32>
    %sub3A_60 = vector.broadcast %get3A_51 : f32 to vector<256x256xf32>
    %sub3A_61 = arith.subf %mul3A_6, %sub3A_60 : vector<256x256xf32>
    %mul3A_62 = arith.mulf %sub3A_59, %sub3A_59 : vector<256x256xf32>
    %mul3A_63 = arith.constant 2.000000e+00 : f32
    %mul3A_64 = arith.mulf %mul3A_63, %get3A_54 : f32
    %mul3A_65 = arith.mulf %mul3A_64, %get3A_54 : f32
    %div3A_66 = vector.broadcast %mul3A_65 : f32 to vector<256x256xf32>
    %div3A_67 = arith.divf %mul3A_62, %div3A_66 : vector<256x256xf32>
    %mul3A_68 = arith.mulf %sub3A_61, %sub3A_61 : vector<256x256xf32>
    %mul3A_69 = arith.constant 2.000000e+00 : f32
    %mul3A_70 = arith.mulf %mul3A_69, %get3A_57 : f32
    %mul3A_71 = arith.mulf %mul3A_70, %get3A_57 : f32
    %div3A_72 = vector.broadcast %mul3A_71 : f32 to vector<256x256xf32>
    %div3A_73 = arith.divf %mul3A_68, %div3A_72 : vector<256x256xf32>
    %add3A_74 = arith.addf %div3A_67, %div3A_73 : vector<256x256xf32>
    %neg3A_75 = arith.constant 0.000000e+00 : f32
    %neg3A_76 = vector.broadcast %neg3A_75 : f32 to vector<256x256xf32>
    %neg3A_77 = arith.subf %neg3A_76, %add3A_74 : vector<256x256xf32>
    %exp3A_78 = math.exp %neg3A_77 : vector<256x256xf32>
    %mul3A_79 = arith.mulf %exp3A_78, %sub3A_10 : vector<256x256xf32>
    %swap3A_80 = arith.constant 1 : index
    %swap3A_81 = arith.constant 0 : index
    %swap3A_82 = arith.constant 0 : index
    %swap3A_83 = vector.load %arg2[%swap3A_80, %swap3A_81, %swap3A_82] : memref<16x256x256xf32, #tpu.memory_space<vmem>>, vector<1x256x256xf32>
    %swap3A_84 = vector.shape_cast %swap3A_83 : vector<1x256x256xf32> to vector<256x256xf32>
    %swap3A_85 = vector.shape_cast %mul3A_79 : vector<256x256xf32> to vector<1x256x256xf32>
    tpu.vector_store %arg2[%swap3A_80, %swap3A_81, %swap3A_82], %swap3A_85 {strides = array<i32>} : memref<16x256x256xf32, #tpu.memory_space<vmem>>, vector<1x256x256xf32>,
    %get3A_86 = arith.constant 2 : index
    %get3A_87 = arith.constant 0 : index
    %get3A_88 = memref.load %arg0[%get3A_86, %get3A_87] : memref<16x4xf32, #tpu.memory_space<smem>>
    %get3A_89 = arith.constant 2 : index
    %get3A_90 = arith.constant 1 : index
    %get3A_91 = memref.load %arg0[%get3A_89, %get3A_90] : memref<16x4xf32, #tpu.memory_space<smem>>
    %get3A_92 = arith.constant 2 : index
    %get3A_93 = arith.constant 2 : index
    %get3A_94 = memref.load %arg0[%get3A_92, %get3A_93] : memref<16x4xf32, #tpu.memory_space<smem>>
    %get3A_95 = arith.constant 2 : index
    %get3A_96 = arith.constant 3 : index
    %get3A_97 = memref.load %arg0[%get3A_95, %get3A_96] : memref<16x4xf32, #tpu.memory_space<smem>>
    %sub3A_98 = vector.broadcast %get3A_88 : f32 to vector<256x256xf32>
    %sub3A_99 = arith.subf %mul3A_1, %sub3A_98 : vector<256x256xf32>
    %sub3A_100 = vector.broadcast %get3A_91 : f32 to vector<256x256xf32>
    %sub3A_101 = arith.subf %mul3A_6, %sub3A_100 : vector<256x256xf32>
    %mul3A_102 = arith.mulf %sub3A_99, %sub3A_99 : vector<256x256xf32>
    %mul3A_103 = arith.constant 2.000000e+00 : f32
    %mul3A_104 = arith.mulf %mul3A_103, %get3A_94 : f32
    %mul3A_105 = arith.mulf %mul3A_104, %get3A_94 : f32
    %div3A_106 = vector.broadcast %mul3A_105 : f32 to vector<256x256xf32>
    %div3A_107 = arith.divf %mul3A_102, %div3A_106 : vector<256x256xf32>
    %mul3A_108 = arith.mulf %sub3A_101, %sub3A_101 : vector<256x256xf32>
    %mul3A_109 = arith.constant 2.000000e+00 : f32
    %mul3A_110 = arith.mulf %mul3A_109, %get3A_97 : f32
    %mul3A_111 = arith.mulf %mul3A_110, %get3A_97 : f32
    %div3A_112 = vector.broadcast %mul3A_111 : f32 to vector<256x256xf32>
    %div3A_113 = arith.divf %mul3A_108, %div3A_112 : vector<256x256xf32>
    %add3A_114 = arith.addf %div3A_107, %div3A_113 : vector<256x256xf32>
    %neg3A_115 = arith.constant 0.000000e+00 : f32
    %neg3A_116 = vector.broadcast %neg3A_115 : f32 to vector<256x256xf32>
    %neg3A_117 = arith.subf %neg3A_116, %add3A_114 : vector<256x256xf32>
    %exp3A_118 = math.exp %neg3A_117 : vector<256x256xf32>
    %mul3A_119 = arith.mulf %exp3A_118, %sub3A_10 : vector<256x256xf32>
    %swap3A_120 = arith.constant 2 : index
    %swap3A_121 = arith.constant 0 : index
    %swap3A_122 = arith.constant 0 : index
    %swap3A_123 = vector.load %arg2[%swap3A_120, %swap3A_121, %swap3A_122] : memref<16x256x256xf32, #tpu.memory_space<vmem>>, vector<1x256x256xf32>
    %swap3A_124 = vector.shape_cast %swap3A_123 : vector<1x256x256xf32> to vector<256x256xf32>
    %swap3A_125 = vector.shape_cast %mul3A_119 : vector<256x256xf32> to vector<1x256x256xf32>
    tpu.vector_store %arg2[%swap3A_120, %swap3A_121, %swap3A_122], %swap3A_125 {strides = array<i32>} : memref<16x256x256xf32, #tpu.memory_space<vmem>>, vector<1x256x256xf32>,
    %get3A_126 = arith.constant 3 : index
    %get3A_127 = arith.constant 0 : index
    %get3A_128 = memref.load %arg0[%get3A_126, %get3A_127] : memref<16x4xf32, #tpu.memory_space<smem>>
    %get3A_129 = arith.constant 3 : index
    %get3A_130 = arith.constant 1 : index
    %get3A_131 = memref.load %arg0[%get3A_129, %get3A_130] : memref<16x4xf32, #tpu.memory_space<smem>>
    %get3A_132 = arith.constant 3 : index
    %get3A_133 = arith.constant 2 : index
    %get3A_134 = memref.load %arg0[%get3A_132, %get3A_133] : memref<16x4xf32, #tpu.memory_space<smem>>
    %get3A_135 = arith.constant 3 : index
    %get3A_136 = arith.constant 3 : index
    %get3A_137 = memref.load %arg0[%get3A_135, %get3A_136] : memref<16x4xf32, #tpu.memory_space<smem>>
    %sub3A_138 = vector.broadcast %get3A_128 : f32 to vector<256x256xf32>
    %sub3A_139 = arith.subf %mul3A_1, %sub3A_138 : vector<256x256xf32>
    %sub3A_140 = vector.broadcast %get3A_131 : f32 to vector<256x256xf32>
    %sub3A_141 = arith.subf %mul3A_6, %sub3A_140 : vector<256x256xf32>
    %mul3A_142 = arith.mulf %sub3A_139, %sub3A_139 : vector<256x256xf32>
    %mul3A_143 = arith.constant 2.000000e+00 : f32
    %mul3A_144 = arith.mulf %mul3A_143, %get3A_134 : f32
    %mul3A_145 = arith.mulf %mul3A_144, %get3A_134 : f32
    %div3A_146 = vector.broadcast %mul3A_145 : f32 to vector<256x256xf32>
    %div3A_147 = arith.divf %mul3A_142, %div3A_146 : vector<256x256xf32>
    %mul3A_148 = arith.mulf %sub3A_141, %sub3A_141 : vector<256x256xf32>
    %mul3A_149 = arith.constant 2.000000e+00 : f32
    %mul3A_150 = arith.mulf %mul3A_149, %get3A_137 : f32
    %mul3A_151 = arith.mulf %mul3A_150, %get3A_137 : f32
    %div3A_152 = vector.broadcast %mul3A_151 : f32 to vector<256x256xf32>
    %div3A_153 = arith.divf %mul3A_148, %div3A_152 : vector<256x256xf32>
    %add3A_154 = arith.addf %div3A_147, %div3A_153 : vector<256x256xf32>
    %neg3A_155 = arith.constant 0.000000e+00 : f32
    %neg3A_156 = vector.broadcast %neg3A_155 : f32 to vector<256x256xf32>
    %neg3A_157 = arith.subf %neg3A_156, %add3A_154 : vector<256x256xf32>
    %exp3A_158 = math.exp %neg3A_157 : vector<256x256xf32>
    %mul3A_159 = arith.mulf %exp3A_158, %sub3A_10 : vector<256x256xf32>
    %swap3A_160 = arith.constant 3 : index
    %swap3A_161 = arith.constant 0 : index
    %swap3A_162 = arith.constant 0 : index
    %swap3A_163 = vector.load %arg2[%swap3A_160, %swap3A_161, %swap3A_162] : memref<16x256x256xf32, #tpu.memory_space<vmem>>, vector<1x256x256xf32>
    %swap3A_164 = vector.shape_cast %swap3A_163 : vector<1x256x256xf32> to vector<256x256xf32>
    %swap3A_165 = vector.shape_cast %mul3A_159 : vector<256x256xf32> to vector<1x256x256xf32>
    tpu.vector_store %arg2[%swap3A_160, %swap3A_161, %swap3A_162], %swap3A_165 {strides = array<i32>} : memref<16x256x256xf32, #tpu.memory_space<vmem>>, vector<1x256x256xf32>,
    %get3A_166 = arith.constant 4 : index
    %get3A_167 = arith.constant 0 : index
    %get3A_168 = memref.load %arg0[%get3A_166, %get3A_167] : memref<16x4xf32, #tpu.memory_space<smem>>
    %get3A_169 = arith.constant 4 : index
    %get3A_170 = arith.constant 1 : index
    %get3A_171 = memref.load %arg0[%get3A_169, %get3A_170] : memref<16x4xf32, #tpu.memory_space<smem>>
    %get3A_172 = arith.constant 4 : index
    %get3A_173 = arith.constant 2 : index
    %get3A_174 = memref.load %arg0[%get3A_172, %get3A_173] : memref<16x4xf32, #tpu.memory_space<smem>>
    %get3A_175 = arith.constant 4 : index
    %get3A_176 = arith.constant 3 : index
    %get3A_177 = memref.load %arg0[%get3A_175, %get3A_176] : memref<16x4xf32, #tpu.memory_space<smem>>
    %sub3A_178 = vector.broadcast %get3A_168 : f32 to vector<256x256xf32>
    %sub3A_179 = arith.subf %mul3A_1, %sub3A_178 : vector<256x256xf32>
    %sub3A_180 = vector.broadcast %get3A_171 : f32 to vector<256x256xf32>
    %sub3A_181 = arith.subf %mul3A_6, %sub3A_180 : vector<256x256xf32>
    %mul3A_182 = arith.mulf %sub3A_179, %sub3A_179 : vector<256x256xf32>
    %mul3A_183 = arith.constant 2.000000e+00 : f32
    %mul3A_184 = arith.mulf %mul3A_183, %get3A_174 : f32
    %mul3A_185 = arith.mulf %mul3A_184, %get3A_174 : f32
    %div3A_186 = vector.broadcast %mul3A_185 : f32 to vector<256x256xf32>
    %div3A_187 = arith.divf %mul3A_182, %div3A_186 : vector<256x256xf32>
    %mul3A_188 = arith.mulf %sub3A_181, %sub3A_181 : vector<256x256xf32>
    %mul3A_189 = arith.constant 2.000000e+00 : f32
    %mul3A_190 = arith.mulf %mul3A_189, %get3A_177 : f32
    %mul3A_191 = arith.mulf %mul3A_190, %get3A_177 : f32
    %div3A_192 = vector.broadcast %mul3A_191 : f32 to vector<256x256xf32>
    %div3A_193 = arith.divf %mul3A_188, %div3A_192 : vector<256x256xf32>
    %add3A_194 = arith.addf %div3A_187, %div3A_193 : vector<256x256xf32>
    %neg3A_195 = arith.constant 0.000000e+00 : f32
    %neg3A_196 = vector.broadcast %neg3A_195 : f32 to vector<256x256xf32>
    %neg3A_197 = arith.subf %neg3A_196, %add3A_194 : vector<256x256xf32>
    %exp3A_198 = math.exp %neg3A_197 : vector<256x256xf32>
    %mul3A_199 = arith.mulf %exp3A_198, %sub3A_10 : vector<256x256xf32>
    %swap3A_200 = arith.constant 4 : index
    %swap3A_201 = arith.constant 0 : index
    %swap3A_202 = arith.constant 0 : index
    %swap3A_203 = vector.load %arg2[%swap3A_200, %swap3A_201, %swap3A_202] : memref<16x256x256xf32, #tpu.memory_space<vmem>>, vector<1x256x256xf32>
    %swap3A_204 = vector.shape_cast %swap3A_203 : vector<1x256x256xf32> to vector<256x256xf32>
    %swap3A_205 = vector.shape_cast %mul3A_199 : vector<256x256xf32> to vector<1x256x256xf32>
    tpu.vector_store %arg2[%swap3A_200, %swap3A_201, %swap3A_202], %swap3A_205 {strides = array<i32>} : memref<16x256x256xf32, #tpu.memory_space<vmem>>, vector<1x256x256xf32>,
    %get3A_206 = arith.constant 5 : index
    %get3A_207 = arith.constant 0 : index
    %get3A_208 = memref.load %arg0[%get3A_206, %get3A_207] : memref<16x4xf32, #tpu.memory_space<smem>>
    %get3A_209 = arith.constant 5 : index
    %get3A_210 = arith.constant 1 : index
    %get3A_211 = memref.load %arg0[%get3A_209, %get3A_210] : memref<16x4xf32, #tpu.memory_space<smem>>
    %get3A_212 = arith.constant 5 : index
    %get3A_213 = arith.constant 2 : index
    %get3A_214 = memref.load %arg0[%get3A_212, %get3A_213] : memref<16x4xf32, #tpu.memory_space<smem>>
    %get3A_215 = arith.constant 5 : index
    %get3A_216 = arith.constant 3 : index
    %get3A_217 = memref.load %arg0[%get3A_215, %get3A_216] : memref<16x4xf32, #tpu.memory_space<smem>>
    %sub3A_218 = vector.broadcast %get3A_208 : f32 to vector<256x256xf32>
    %sub3A_219 = arith.subf %mul3A_1, %sub3A_218 : vector<256x256xf32>
    %sub3A_220 = vector.broadcast %get3A_211 : f32 to vector<256x256xf32>
    %sub3A_221 = arith.subf %mul3A_6, %sub3A_220 : vector<256x256xf32>
    %mul3A_222 = arith.mulf %sub3A_219, %sub3A_219 : vector<256x256xf32>
    %mul3A_223 = arith.constant 2.000000e+00 : f32
    %mul3A_224 = arith.mulf %mul3A_223, %get3A_214 : f32
    %mul3A_225 = arith.mulf %mul3A_224, %get3A_214 : f32
    %div3A_226 = vector.broadcast %mul3A_225 : f32 to vector<256x256xf32>
    %div3A_227 = arith.divf %mul3A_222, %div3A_226 : vector<256x256xf32>
    %mul3A_228 = arith.mulf %sub3A_221, %sub3A_221 : vector<256x256xf32>
    %mul3A_229 = arith.constant 2.000000e+00 : f32
    %mul3A_230 = arith.mulf %mul3A_229, %get3A_217 : f32
    %mul3A_231 = arith.mulf %mul3A_230, %get3A_217 : f32
    %div3A_232 = vector.broadcast %mul3A_231 : f32 to vector<256x256xf32>
    %div3A_233 = arith.divf %mul3A_228, %div3A_232 : vector<256x256xf32>
    %add3A_234 = arith.addf %div3A_227, %div3A_233 : vector<256x256xf32>
    %neg3A_235 = arith.constant 0.000000e+00 : f32
    %neg3A_236 = vector.broadcast %neg3A_235 : f32 to vector<256x256xf32>
    %neg3A_237 = arith.subf %neg3A_236, %add3A_234 : vector<256x256xf32>
    %exp3A_238 = math.exp %neg3A_237 : vector<256x256xf32>
    %mul3A_239 = arith.mulf %exp3A_238, %sub3A_10 : vector<256x256xf32>
    %swap3A_240 = arith.constant 5 : index
    %swap3A_241 = arith.constant 0 : index
    %swap3A_242 = arith.constant 0 : index
    %swap3A_243 = vector.load %arg2[%swap3A_240, %swap3A_241, %swap3A_242] : memref<16x256x256xf32, #tpu.memory_space<vmem>>, vector<1x256x256xf32>
    %swap3A_244 = vector.shape_cast %swap3A_243 : vector<1x256x256xf32> to vector<256x256xf32>
    %swap3A_245 = vector.shape_cast %mul3A_239 : vector<256x256xf32> to vector<1x256x256xf32>
    tpu.vector_store %arg2[%swap3A_240, %swap3A_241, %swap3A_242], %swap3A_245 {strides = array<i32>} : memref<16x256x256xf32, #tpu.memory_space<vmem>>, vector<1x256x256xf32>,
    %get3A_246 = arith.constant 6 : index
    %get3A_247 = arith.constant 0 : index
    %get3A_248 = memref.load %arg0[%get3A_246, %get3A_247] : memref<16x4xf32, #tpu.memory_space<smem>>
    %get3A_249 = arith.constant 6 : index
    %get3A_250 = arith.constant 1 : index
    %get3A_251 = memref.load %arg0[%get3A_249, %get3A_250] : memref<16x4xf32, #tpu.memory_space<smem>>
    %get3A_252 = arith.constant 6 : index
    %get3A_253 = arith.constant 2 : index
    %get3A_254 = memref.load %arg0[%get3A_252, %get3A_253] : memref<16x4xf32, #tpu.memory_space<smem>>
    %get3A_255 = arith.constant 6 : index
    %get3A_256 = arith.constant 3 : index
    %get3A_257 = memref.load %arg0[%get3A_255, %get3A_256] : memref<16x4xf32, #tpu.memory_space<smem>>
    %sub3A_258 = vector.broadcast %get3A_248 : f32 to vector<256x256xf32>
    %sub3A_259 = arith.subf %mul3A_1, %sub3A_258 : vector<256x256xf32>
    %sub3A_260 = vector.broadcast %get3A_251 : f32 to vector<256x256xf32>
    %sub3A_261 = arith.subf %mul3A_6, %sub3A_260 : vector<256x256xf32>
    %mul3A_262 = arith.mulf %sub3A_259, %sub3A_259 : vector<256x256xf32>
    %mul3A_263 = arith.constant 2.000000e+00 : f32
    %mul3A_264 = arith.mulf %mul3A_263, %get3A_254 : f32
    %mul3A_265 = arith.mulf %mul3A_264, %get3A_254 : f32
    %div3A_266 = vector.broadcast %mul3A_265 : f32 to vector<256x256xf32>
    %div3A_267 = arith.divf %mul3A_262, %div3A_266 : vector<256x256xf32>
    %mul3A_268 = arith.mulf %sub3A_261, %sub3A_261 : vector<256x256xf32>
    %mul3A_269 = arith.constant 2.000000e+00 : f32
    %mul3A_270 = arith.mulf %mul3A_269, %get3A_257 : f32
    %mul3A_271 = arith.mulf %mul3A_270, %get3A_257 : f32
    %div3A_272 = vector.broadcast %mul3A_271 : f32 to vector<256x256xf32>
    %div3A_273 = arith.divf %mul3A_268, %div3A_272 : vector<256x256xf32>
    %add3A_274 = arith.addf %div3A_267, %div3A_273 : vector<256x256xf32>
    %neg3A_275 = arith.constant 0.000000e+00 : f32
    %neg3A_276 = vector.broadcast %neg3A_275 : f32 to vector<256x256xf32>
    %neg3A_277 = arith.subf %neg3A_276, %add3A_274 : vector<256x256xf32>
    %exp3A_278 = math.exp %neg3A_277 : vector<256x256xf32>
    %mul3A_279 = arith.mulf %exp3A_278, %sub3A_10 : vector<256x256xf32>
    %swap3A_280 = arith.constant 6 : index
    %swap3A_281 = arith.constant 0 : index
    %swap3A_282 = arith.constant 0 : index
    %swap3A_283 = vector.load %arg2[%swap3A_280, %swap3A_281, %swap3A_282] : memref<16x256x256xf32, #tpu.memory_space<vmem>>, vector<1x256x256xf32>
    %swap3A_284 = vector.shape_cast %swap3A_283 : vector<1x256x256xf32> to vector<256x256xf32>
    %swap3A_285 = vector.shape_cast %mul3A_279 : vector<256x256xf32> to vector<1x256x256xf32>
    tpu.vector_store %arg2[%swap3A_280, %swap3A_281, %swap3A_282], %swap3A_285 {strides = array<i32>} : memref<16x256x256xf32, #tpu.memory_space<vmem>>, vector<1x256x256xf32>,
    %get3A_286 = arith.constant 7 : index
    %get3A_287 = arith.constant 0 : index
    %get3A_288 = memref.load %arg0[%get3A_286, %get3A_287] : memref<16x4xf32, #tpu.memory_space<smem>>
    %get3A_289 = arith.constant 7 : index
    %get3A_290 = arith.constant 1 : index
    %get3A_291 = memref.load %arg0[%get3A_289, %get3A_290] : memref<16x4xf32, #tpu.memory_space<smem>>
    %get3A_292 = arith.constant 7 : index
    %get3A_293 = arith.constant 2 : index
    %get3A_294 = memref.load %arg0[%get3A_292, %get3A_293] : memref<16x4xf32, #tpu.memory_space<smem>>
    %get3A_295 = arith.constant 7 : index
    %get3A_296 = arith.constant 3 : index
    %get3A_297 = memref.load %arg0[%get3A_295, %get3A_296] : memref<16x4xf32, #tpu.memory_space<smem>>
    %sub3A_298 = vector.broadcast %get3A_288 : f32 to vector<256x256xf32>
    %sub3A_299 = arith.subf %mul3A_1, %sub3A_298 : vector<256x256xf32>
    %sub3A_300 = vector.broadcast %get3A_291 : f32 to vector<256x256xf32>
    %sub3A_301 = arith.subf %mul3A_6, %sub3A_300 : vector<256x256xf32>
    %mul3A_302 = arith.mulf %sub3A_299, %sub3A_299 : vector<256x256xf32>
    %mul3A_303 = arith.constant 2.000000e+00 : f32
    %mul3A_304 = arith.mulf %mul3A_303, %get3A_294 : f32
    %mul3A_305 = arith.mulf %mul3A_304, %get3A_294 : f32
    %div3A_306 = vector.broadcast %mul3A_305 : f32 to vector<256x256xf32>
    %div3A_307 = arith.divf %mul3A_302, %div3A_306 : vector<256x256xf32>
    %mul3A_308 = arith.mulf %sub3A_301, %sub3A_301 : vector<256x256xf32>
    %mul3A_309 = arith.constant 2.000000e+00 : f32
    %mul3A_310 = arith.mulf %mul3A_309, %get3A_297 : f32
    %mul3A_311 = arith.mulf %mul3A_310, %get3A_297 : f32
    %div3A_312 = vector.broadcast %mul3A_311 : f32 to vector<256x256xf32>
    %div3A_313 = arith.divf %mul3A_308, %div3A_312 : vector<256x256xf32>
    %add3A_314 = arith.addf %div3A_307, %div3A_313 : vector<256x256xf32>
    %neg3A_315 = arith.constant 0.000000e+00 : f32
    %neg3A_316 = vector.broadcast %neg3A_315 : f32 to vector<256x256xf32>
    %neg3A_317 = arith.subf %neg3A_316, %add3A_314 : vector<256x256xf32>
    %exp3A_318 = math.exp %neg3A_317 : vector<256x256xf32>
    %mul3A_319 = arith.mulf %exp3A_318, %sub3A_10 : vector<256x256xf32>
    %swap3A_320 = arith.constant 7 : index
    %swap3A_321 = arith.constant 0 : index
    %swap3A_322 = arith.constant 0 : index
    %swap3A_323 = vector.load %arg2[%swap3A_320, %swap3A_321, %swap3A_322] : memref<16x256x256xf32, #tpu.memory_space<vmem>>, vector<1x256x256xf32>
    %swap3A_324 = vector.shape_cast %swap3A_323 : vector<1x256x256xf32> to vector<256x256xf32>
    %swap3A_325 = vector.shape_cast %mul3A_319 : vector<256x256xf32> to vector<1x256x256xf32>
    tpu.vector_store %arg2[%swap3A_320, %swap3A_321, %swap3A_322], %swap3A_325 {strides = array<i32>} : memref<16x256x256xf32, #tpu.memory_space<vmem>>, vector<1x256x256xf32>,
    %get3A_326 = arith.constant 8 : index
    %get3A_327 = arith.constant 0 : index
    %get3A_328 = memref.load %arg0[%get3A_326, %get3A_327] : memref<16x4xf32, #tpu.memory_space<smem>>
    %get3A_329 = arith.constant 8 : index
    %get3A_330 = arith.constant 1 : index
    %get3A_331 = memref.load %arg0[%get3A_329, %get3A_330] : memref<16x4xf32, #tpu.memory_space<smem>>
    %get3A_332 = arith.constant 8 : index
    %get3A_333 = arith.constant 2 : index
    %get3A_334 = memref.load %arg0[%get3A_332, %get3A_333] : memref<16x4xf32, #tpu.memory_space<smem>>
    %get3A_335 = arith.constant 8 : index
    %get3A_336 = arith.constant 3 : index
    %get3A_337 = memref.load %arg0[%get3A_335, %get3A_336] : memref<16x4xf32, #tpu.memory_space<smem>>
    %sub3A_338 = vector.broadcast %get3A_328 : f32 to vector<256x256xf32>
    %sub3A_339 = arith.subf %mul3A_1, %sub3A_338 : vector<256x256xf32>
    %sub3A_340 = vector.broadcast %get3A_331 : f32 to vector<256x256xf32>
    %sub3A_341 = arith.subf %mul3A_6, %sub3A_340 : vector<256x256xf32>
    %mul3A_342 = arith.mulf %sub3A_339, %sub3A_339 : vector<256x256xf32>
    %mul3A_343 = arith.constant 2.000000e+00 : f32
    %mul3A_344 = arith.mulf %mul3A_343, %get3A_334 : f32
    %mul3A_345 = arith.mulf %mul3A_344, %get3A_334 : f32
    %div3A_346 = vector.broadcast %mul3A_345 : f32 to vector<256x256xf32>
    %div3A_347 = arith.divf %mul3A_342, %div3A_346 : vector<256x256xf32>
    %mul3A_348 = arith.mulf %sub3A_341, %sub3A_341 : vector<256x256xf32>
    %mul3A_349 = arith.constant 2.000000e+00 : f32
    %mul3A_350 = arith.mulf %mul3A_349, %get3A_337 : f32
    %mul3A_351 = arith.mulf %mul3A_350, %get3A_337 : f32
    %div3A_352 = vector.broadcast %mul3A_351 : f32 to vector<256x256xf32>
    %div3A_353 = arith.divf %mul3A_348, %div3A_352 : vector<256x256xf32>
    %add3A_354 = arith.addf %div3A_347, %div3A_353 : vector<256x256xf32>
    %neg3A_355 = arith.constant 0.000000e+00 : f32
    %neg3A_356 = vector.broadcast %neg3A_355 : f32 to vector<256x256xf32>
    %neg3A_357 = arith.subf %neg3A_356, %add3A_354 : vector<256x256xf32>
    %exp3A_358 = math.exp %neg3A_357 : vector<256x256xf32>
    %mul3A_359 = arith.mulf %exp3A_358, %sub3A_10 : vector<256x256xf32>
    %swap3A_360 = arith.constant 8 : index
    %swap3A_361 = arith.constant 0 : index
    %swap3A_362 = arith.constant 0 : index
    %swap3A_363 = vector.load %arg2[%swap3A_360, %swap3A_361, %swap3A_362] : memref<16x256x256xf32, #tpu.memory_space<vmem>>, vector<1x256x256xf32>
    %swap3A_364 = vector.shape_cast %swap3A_363 : vector<1x256x256xf32> to vector<256x256xf32>
    %swap3A_365 = vector.shape_cast %mul3A_359 : vector<256x256xf32> to vector<1x256x256xf32>
    tpu.vector_store %arg2[%swap3A_360, %swap3A_361, %swap3A_362], %swap3A_365 {strides = array<i32>} : memref<16x256x256xf32, #tpu.memory_space<vmem>>, vector<1x256x256xf32>,
    %get3A_366 = arith.constant 9 : index
    %get3A_367 = arith.constant 0 : index
    %get3A_368 = memref.load %arg0[%get3A_366, %get3A_367] : memref<16x4xf32, #tpu.memory_space<smem>>
    %get3A_369 = arith.constant 9 : index
    %get3A_370 = arith.constant 1 : index
    %get3A_371 = memref.load %arg0[%get3A_369, %get3A_370] : memref<16x4xf32, #tpu.memory_space<smem>>
    %get3A_372 = arith.constant 9 : index
    %get3A_373 = arith.constant 2 : index
    %get3A_374 = memref.load %arg0[%get3A_372, %get3A_373] : memref<16x4xf32, #tpu.memory_space<smem>>
    %get3A_375 = arith.constant 9 : index
    %get3A_376 = arith.constant 3 : index
    %get3A_377 = memref.load %arg0[%get3A_375, %get3A_376] : memref<16x4xf32, #tpu.memory_space<smem>>
    %sub3A_378 = vector.broadcast %get3A_368 : f32 to vector<256x256xf32>
    %sub3A_379 = arith.subf %mul3A_1, %sub3A_378 : vector<256x256xf32>
    %sub3A_380 = vector.broadcast %get3A_371 : f32 to vector<256x256xf32>
    %sub3A_381 = arith.subf %mul3A_6, %sub3A_380 : vector<256x256xf32>
    %mul3A_382 = arith.mulf %sub3A_379, %sub3A_379 : vector<256x256xf32>
    %mul3A_383 = arith.constant 2.000000e+00 : f32
    %mul3A_384 = arith.mulf %mul3A_383, %get3A_374 : f32
    %mul3A_385 = arith.mulf %mul3A_384, %get3A_374 : f32
    %div3A_386 = vector.broadcast %mul3A_385 : f32 to vector<256x256xf32>
    %div3A_387 = arith.divf %mul3A_382, %div3A_386 : vector<256x256xf32>
    %mul3A_388 = arith.mulf %sub3A_381, %sub3A_381 : vector<256x256xf32>
    %mul3A_389 = arith.constant 2.000000e+00 : f32
    %mul3A_390 = arith.mulf %mul3A_389, %get3A_377 : f32
    %mul3A_391 = arith.mulf %mul3A_390, %get3A_377 : f32
    %div3A_392 = vector.broadcast %mul3A_391 : f32 to vector<256x256xf32>
    %div3A_393 = arith.divf %mul3A_388, %div3A_392 : vector<256x256xf32>
    %add3A_394 = arith.addf %div3A_387, %div3A_393 : vector<256x256xf32>
    %neg3A_395 = arith.constant 0.000000e+00 : f32
    %neg3A_396 = vector.broadcast %neg3A_395 : f32 to vector<256x256xf32>
    %neg3A_397 = arith.subf %neg3A_396, %add3A_394 : vector<256x256xf32>
    %exp3A_398 = math.exp %neg3A_397 : vector<256x256xf32>
    %mul3A_399 = arith.mulf %exp3A_398, %sub3A_10 : vector<256x256xf32>
    %swap3A_400 = arith.constant 9 : index
    %swap3A_401 = arith.constant 0 : index
    %swap3A_402 = arith.constant 0 : index
    %swap3A_403 = vector.load %arg2[%swap3A_400, %swap3A_401, %swap3A_402] : memref<16x256x256xf32, #tpu.memory_space<vmem>>, vector<1x256x256xf32>
    %swap3A_404 = vector.shape_cast %swap3A_403 : vector<1x256x256xf32> to vector<256x256xf32>
    %swap3A_405 = vector.shape_cast %mul3A_399 : vector<256x256xf32> to vector<1x256x256xf32>
    tpu.vector_store %arg2[%swap3A_400, %swap3A_401, %swap3A_402], %swap3A_405 {strides = array<i32>} : memref<16x256x256xf32, #tpu.memory_space<vmem>>, vector<1x256x256xf32>,
    %get3A_406 = arith.constant 10 : index
    %get3A_407 = arith.constant 0 : index
    %get3A_408 = memref.load %arg0[%get3A_406, %get3A_407] : memref<16x4xf32, #tpu.memory_space<smem>>
    %get3A_409 = arith.constant 10 : index
    %get3A_410 = arith.constant 1 : index
    %get3A_411 = memref.load %arg0[%get3A_409, %get3A_410] : memref<16x4xf32, #tpu.memory_space<smem>>
    %get3A_412 = arith.constant 10 : index
    %get3A_413 = arith.constant 2 : index
    %get3A_414 = memref.load %arg0[%get3A_412, %get3A_413] : memref<16x4xf32, #tpu.memory_space<smem>>
    %get3A_415 = arith.constant 10 : index
    %get3A_416 = arith.constant 3 : index
    %get3A_417 = memref.load %arg0[%get3A_415, %get3A_416] : memref<16x4xf32, #tpu.memory_space<smem>>
    %sub3A_418 = vector.broadcast %get3A_408 : f32 to vector<256x256xf32>
    %sub3A_419 = arith.subf %mul3A_1, %sub3A_418 : vector<256x256xf32>
    %sub3A_420 = vector.broadcast %get3A_411 : f32 to vector<256x256xf32>
    %sub3A_421 = arith.subf %mul3A_6, %sub3A_420 : vector<256x256xf32>
    %mul3A_422 = arith.mulf %sub3A_419, %sub3A_419 : vector<256x256xf32>
    %mul3A_423 = arith.constant 2.000000e+00 : f32
    %mul3A_424 = arith.mulf %mul3A_423, %get3A_414 : f32
    %mul3A_425 = arith.mulf %mul3A_424, %get3A_414 : f32
    %div3A_426 = vector.broadcast %mul3A_425 : f32 to vector<256x256xf32>
    %div3A_427 = arith.divf %mul3A_422, %div3A_426 : vector<256x256xf32>
    %mul3A_428 = arith.mulf %sub3A_421, %sub3A_421 : vector<256x256xf32>
    %mul3A_429 = arith.constant 2.000000e+00 : f32
    %mul3A_430 = arith.mulf %mul3A_429, %get3A_417 : f32
    %mul3A_431 = arith.mulf %mul3A_430, %get3A_417 : f32
    %div3A_432 = vector.broadcast %mul3A_431 : f32 to vector<256x256xf32>
    %div3A_433 = arith.divf %mul3A_428, %div3A_432 : vector<256x256xf32>
    %add3A_434 = arith.addf %div3A_427, %div3A_433 : vector<256x256xf32>
    %neg3A_435 = arith.constant 0.000000e+00 : f32
    %neg3A_436 = vector.broadcast %neg3A_435 : f32 to vector<256x256xf32>
    %neg3A_437 = arith.subf %neg3A_436, %add3A_434 : vector<256x256xf32>
    %exp3A_438 = math.exp %neg3A_437 : vector<256x256xf32>
    %mul3A_439 = arith.mulf %exp3A_438, %sub3A_10 : vector<256x256xf32>
    %swap3A_440 = arith.constant 10 : index
    %swap3A_441 = arith.constant 0 : index
    %swap3A_442 = arith.constant 0 : index
    %swap3A_443 = vector.load %arg2[%swap3A_440, %swap3A_441, %swap3A_442] : memref<16x256x256xf32, #tpu.memory_space<vmem>>, vector<1x256x256xf32>
    %swap3A_444 = vector.shape_cast %swap3A_443 : vector<1x256x256xf32> to vector<256x256xf32>
    %swap3A_445 = vector.shape_cast %mul3A_439 : vector<256x256xf32> to vector<1x256x256xf32>
    tpu.vector_store %arg2[%swap3A_440, %swap3A_441, %swap3A_442], %swap3A_445 {strides = array<i32>} : memref<16x256x256xf32, #tpu.memory_space<vmem>>, vector<1x256x256xf32>,
    %get3A_446 = arith.constant 11 : index
    %get3A_447 = arith.constant 0 : index
    %get3A_448 = memref.load %arg0[%get3A_446, %get3A_447] : memref<16x4xf32, #tpu.memory_space<smem>>
    %get3A_449 = arith.constant 11 : index
    %get3A_450 = arith.constant 1 : index
    %get3A_451 = memref.load %arg0[%get3A_449, %get3A_450] : memref<16x4xf32, #tpu.memory_space<smem>>
    %get3A_452 = arith.constant 11 : index
    %get3A_453 = arith.constant 2 : index
    %get3A_454 = memref.load %arg0[%get3A_452, %get3A_453] : memref<16x4xf32, #tpu.memory_space<smem>>
    %get3A_455 = arith.constant 11 : index
    %get3A_456 = arith.constant 3 : index
    %get3A_457 = memref.load %arg0[%get3A_455, %get3A_456] : memref<16x4xf32, #tpu.memory_space<smem>>
    %sub3A_458 = vector.broadcast %get3A_448 : f32 to vector<256x256xf32>
    %sub3A_459 = arith.subf %mul3A_1, %sub3A_458 : vector<256x256xf32>
    %sub3A_460 = vector.broadcast %get3A_451 : f32 to vector<256x256xf32>
    %sub3A_461 = arith.subf %mul3A_6, %sub3A_460 : vector<256x256xf32>
    %mul3A_462 = arith.mulf %sub3A_459, %sub3A_459 : vector<256x256xf32>
    %mul3A_463 = arith.constant 2.000000e+00 : f32
    %mul3A_464 = arith.mulf %mul3A_463, %get3A_454 : f32
    %mul3A_465 = arith.mulf %mul3A_464, %get3A_454 : f32
    %div3A_466 = vector.broadcast %mul3A_465 : f32 to vector<256x256xf32>
    %div3A_467 = arith.divf %mul3A_462, %div3A_466 : vector<256x256xf32>
    %mul3A_468 = arith.mulf %sub3A_461, %sub3A_461 : vector<256x256xf32>
    %mul3A_469 = arith.constant 2.000000e+00 : f32
    %mul3A_470 = arith.mulf %mul3A_469, %get3A_457 : f32
    %mul3A_471 = arith.mulf %mul3A_470, %get3A_457 : f32
    %div3A_472 = vector.broadcast %mul3A_471 : f32 to vector<256x256xf32>
    %div3A_473 = arith.divf %mul3A_468, %div3A_472 : vector<256x256xf32>
    %add3A_474 = arith.addf %div3A_467, %div3A_473 : vector<256x256xf32>
    %neg3A_475 = arith.constant 0.000000e+00 : f32
    %neg3A_476 = vector.broadcast %neg3A_475 : f32 to vector<256x256xf32>
    %neg3A_477 = arith.subf %neg3A_476, %add3A_474 : vector<256x256xf32>
    %exp3A_478 = math.exp %neg3A_477 : vector<256x256xf32>
    %mul3A_479 = arith.mulf %exp3A_478, %sub3A_10 : vector<256x256xf32>
    %swap3A_480 = arith.constant 11 : index
    %swap3A_481 = arith.constant 0 : index
    %swap3A_482 = arith.constant 0 : index
    %swap3A_483 = vector.load %arg2[%swap3A_480, %swap3A_481, %swap3A_482] : memref<16x256x256xf32, #tpu.memory_space<vmem>>, vector<1x256x256xf32>
    %swap3A_484 = vector.shape_cast %swap3A_483 : vector<1x256x256xf32> to vector<256x256xf32>
    %swap3A_485 = vector.shape_cast %mul3A_479 : vector<256x256xf32> to vector<1x256x256xf32>
    tpu.vector_store %arg2[%swap3A_480, %swap3A_481, %swap3A_482], %swap3A_485 {strides = array<i32>} : memref<16x256x256xf32, #tpu.memory_space<vmem>>, vector<1x256x256xf32>,
    %get3A_486 = arith.constant 12 : index
    %get3A_487 = arith.constant 0 : index
    %get3A_488 = memref.load %arg0[%get3A_486, %get3A_487] : memref<16x4xf32, #tpu.memory_space<smem>>
    %get3A_489 = arith.constant 12 : index
    %get3A_490 = arith.constant 1 : index
    %get3A_491 = memref.load %arg0[%get3A_489, %get3A_490] : memref<16x4xf32, #tpu.memory_space<smem>>
    %get3A_492 = arith.constant 12 : index
    %get3A_493 = arith.constant 2 : index
    %get3A_494 = memref.load %arg0[%get3A_492, %get3A_493] : memref<16x4xf32, #tpu.memory_space<smem>>
    %get3A_495 = arith.constant 12 : index
    %get3A_496 = arith.constant 3 : index
    %get3A_497 = memref.load %arg0[%get3A_495, %get3A_496] : memref<16x4xf32, #tpu.memory_space<smem>>
    %sub3A_498 = vector.broadcast %get3A_488 : f32 to vector<256x256xf32>
    %sub3A_499 = arith.subf %mul3A_1, %sub3A_498 : vector<256x256xf32>
    %sub3A_500 = vector.broadcast %get3A_491 : f32 to vector<256x256xf32>
    %sub3A_501 = arith.subf %mul3A_6, %sub3A_500 : vector<256x256xf32>
    %mul3A_502 = arith.mulf %sub3A_499, %sub3A_499 : vector<256x256xf32>
    %mul3A_503 = arith.constant 2.000000e+00 : f32
    %mul3A_504 = arith.mulf %mul3A_503, %get3A_494 : f32
    %mul3A_505 = arith.mulf %mul3A_504, %get3A_494 : f32
    %div3A_506 = vector.broadcast %mul3A_505 : f32 to vector<256x256xf32>
    %div3A_507 = arith.divf %mul3A_502, %div3A_506 : vector<256x256xf32>
    %mul3A_508 = arith.mulf %sub3A_501, %sub3A_501 : vector<256x256xf32>
    %mul3A_509 = arith.constant 2.000000e+00 : f32
    %mul3A_510 = arith.mulf %mul3A_509, %get3A_497 : f32
    %mul3A_511 = arith.mulf %mul3A_510, %get3A_497 : f32
    %div3A_512 = vector.broadcast %mul3A_511 : f32 to vector<256x256xf32>
    %div3A_513 = arith.divf %mul3A_508, %div3A_512 : vector<256x256xf32>
    %add3A_514 = arith.addf %div3A_507, %div3A_513 : vector<256x256xf32>
    %neg3A_515 = arith.constant 0.000000e+00 : f32
    %neg3A_516 = vector.broadcast %neg3A_515 : f32 to vector<256x256xf32>
    %neg3A_517 = arith.subf %neg3A_516, %add3A_514 : vector<256x256xf32>
    %exp3A_518 = math.exp %neg3A_517 : vector<256x256xf32>
    %mul3A_519 = arith.mulf %exp3A_518, %sub3A_10 : vector<256x256xf32>
    %swap3A_520 = arith.constant 12 : index
    %swap3A_521 = arith.constant 0 : index
    %swap3A_522 = arith.constant 0 : index
    %swap3A_523 = vector.load %arg2[%swap3A_520, %swap3A_521, %swap3A_522] : memref<16x256x256xf32, #tpu.memory_space<vmem>>, vector<1x256x256xf32>
    %swap3A_524 = vector.shape_cast %swap3A_523 : vector<1x256x256xf32> to vector<256x256xf32>
    %swap3A_525 = vector.shape_cast %mul3A_519 : vector<256x256xf32> to vector<1x256x256xf32>
    tpu.vector_store %arg2[%swap3A_520, %swap3A_521, %swap3A_522], %swap3A_525 {strides = array<i32>} : memref<16x256x256xf32, #tpu.memory_space<vmem>>, vector<1x256x256xf32>,
    %get3A_526 = arith.constant 13 : index
    %get3A_527 = arith.constant 0 : index
    %get3A_528 = memref.load %arg0[%get3A_526, %get3A_527] : memref<16x4xf32, #tpu.memory_space<smem>>
    %get3A_529 = arith.constant 13 : index
    %get3A_530 = arith.constant 1 : index
    %get3A_531 = memref.load %arg0[%get3A_529, %get3A_530] : memref<16x4xf32, #tpu.memory_space<smem>>
    %get3A_532 = arith.constant 13 : index
    %get3A_533 = arith.constant 2 : index
    %get3A_534 = memref.load %arg0[%get3A_532, %get3A_533] : memref<16x4xf32, #tpu.memory_space<smem>>
    %get3A_535 = arith.constant 13 : index
    %get3A_536 = arith.constant 3 : index
    %get3A_537 = memref.load %arg0[%get3A_535, %get3A_536] : memref<16x4xf32, #tpu.memory_space<smem>>
    %sub3A_538 = vector.broadcast %get3A_528 : f32 to vector<256x256xf32>
    %sub3A_539 = arith.subf %mul3A_1, %sub3A_538 : vector<256x256xf32>
    %sub3A_540 = vector.broadcast %get3A_531 : f32 to vector<256x256xf32>
    %sub3A_541 = arith.subf %mul3A_6, %sub3A_540 : vector<256x256xf32>
    %mul3A_542 = arith.mulf %sub3A_539, %sub3A_539 : vector<256x256xf32>
    %mul3A_543 = arith.constant 2.000000e+00 : f32
    %mul3A_544 = arith.mulf %mul3A_543, %get3A_534 : f32
    %mul3A_545 = arith.mulf %mul3A_544, %get3A_534 : f32
    %div3A_546 = vector.broadcast %mul3A_545 : f32 to vector<256x256xf32>
    %div3A_547 = arith.divf %mul3A_542, %div3A_546 : vector<256x256xf32>
    %mul3A_548 = arith.mulf %sub3A_541, %sub3A_541 : vector<256x256xf32>
    %mul3A_549 = arith.constant 2.000000e+00 : f32
    %mul3A_550 = arith.mulf %mul3A_549, %get3A_537 : f32
    %mul3A_551 = arith.mulf %mul3A_550, %get3A_537 : f32
    %div3A_552 = vector.broadcast %mul3A_551 : f32 to vector<256x256xf32>
    %div3A_553 = arith.divf %mul3A_548, %div3A_552 : vector<256x256xf32>
    %add3A_554 = arith.addf %div3A_547, %div3A_553 : vector<256x256xf32>
    %neg3A_555 = arith.constant 0.000000e+00 : f32
    %neg3A_556 = vector.broadcast %neg3A_555 : f32 to vector<256x256xf32>
    %neg3A_557 = arith.subf %neg3A_556, %add3A_554 : vector<256x256xf32>
    %exp3A_558 = math.exp %neg3A_557 : vector<256x256xf32>
    %mul3A_559 = arith.mulf %exp3A_558, %sub3A_10 : vector<256x256xf32>
    %swap3A_560 = arith.constant 13 : index
    %swap3A_561 = arith.constant 0 : index
    %swap3A_562 = arith.constant 0 : index
    %swap3A_563 = vector.load %arg2[%swap3A_560, %swap3A_561, %swap3A_562] : memref<16x256x256xf32, #tpu.memory_space<vmem>>, vector<1x256x256xf32>
    %swap3A_564 = vector.shape_cast %swap3A_563 : vector<1x256x256xf32> to vector<256x256xf32>
    %swap3A_565 = vector.shape_cast %mul3A_559 : vector<256x256xf32> to vector<1x256x256xf32>
    tpu.vector_store %arg2[%swap3A_560, %swap3A_561, %swap3A_562], %swap3A_565 {strides = array<i32>} : memref<16x256x256xf32, #tpu.memory_space<vmem>>, vector<1x256x256xf32>,
    %get3A_566 = arith.constant 14 : index
    %get3A_567 = arith.constant 0 : index
    %get3A_568 = memref.load %arg0[%get3A_566, %get3A_567] : memref<16x4xf32, #tpu.memory_space<smem>>
    %get3A_569 = arith.constant 14 : index
    %get3A_570 = arith.constant 1 : index
    %get3A_571 = memref.load %arg0[%get3A_569, %get3A_570] : memref<16x4xf32, #tpu.memory_space<smem>>
    %get3A_572 = arith.constant 14 : index
    %get3A_573 = arith.constant 2 : index
    %get3A_574 = memref.load %arg0[%get3A_572, %get3A_573] : memref<16x4xf32, #tpu.memory_space<smem>>
    %get3A_575 = arith.constant 14 : index
    %get3A_576 = arith.constant 3 : index
    %get3A_577 = memref.load %arg0[%get3A_575, %get3A_576] : memref<16x4xf32, #tpu.memory_space<smem>>
    %sub3A_578 = vector.broadcast %get3A_568 : f32 to vector<256x256xf32>
    %sub3A_579 = arith.subf %mul3A_1, %sub3A_578 : vector<256x256xf32>
    %sub3A_580 = vector.broadcast %get3A_571 : f32 to vector<256x256xf32>
    %sub3A_581 = arith.subf %mul3A_6, %sub3A_580 : vector<256x256xf32>
    %mul3A_582 = arith.mulf %sub3A_579, %sub3A_579 : vector<256x256xf32>
    %mul3A_583 = arith.constant 2.000000e+00 : f32
    %mul3A_584 = arith.mulf %mul3A_583, %get3A_574 : f32
    %mul3A_585 = arith.mulf %mul3A_584, %get3A_574 : f32
    %div3A_586 = vector.broadcast %mul3A_585 : f32 to vector<256x256xf32>
    %div3A_587 = arith.divf %mul3A_582, %div3A_586 : vector<256x256xf32>
    %mul3A_588 = arith.mulf %sub3A_581, %sub3A_581 : vector<256x256xf32>
    %mul3A_589 = arith.constant 2.000000e+00 : f32
    %mul3A_590 = arith.mulf %mul3A_589, %get3A_577 : f32
    %mul3A_591 = arith.mulf %mul3A_590, %get3A_577 : f32
    %div3A_592 = vector.broadcast %mul3A_591 : f32 to vector<256x256xf32>
    %div3A_593 = arith.divf %mul3A_588, %div3A_592 : vector<256x256xf32>
    %add3A_594 = arith.addf %div3A_587, %div3A_593 : vector<256x256xf32>
    %neg3A_595 = arith.constant 0.000000e+00 : f32
    %neg3A_596 = vector.broadcast %neg3A_595 : f32 to vector<256x256xf32>
    %neg3A_597 = arith.subf %neg3A_596, %add3A_594 : vector<256x256xf32>
    %exp3A_598 = math.exp %neg3A_597 : vector<256x256xf32>
    %mul3A_599 = arith.mulf %exp3A_598, %sub3A_10 : vector<256x256xf32>
    %swap3A_600 = arith.constant 14 : index
    %swap3A_601 = arith.constant 0 : index
    %swap3A_602 = arith.constant 0 : index
    %swap3A_603 = vector.load %arg2[%swap3A_600, %swap3A_601, %swap3A_602] : memref<16x256x256xf32, #tpu.memory_space<vmem>>, vector<1x256x256xf32>
    %swap3A_604 = vector.shape_cast %swap3A_603 : vector<1x256x256xf32> to vector<256x256xf32>
    %swap3A_605 = vector.shape_cast %mul3A_599 : vector<256x256xf32> to vector<1x256x256xf32>
    tpu.vector_store %arg2[%swap3A_600, %swap3A_601, %swap3A_602], %swap3A_605 {strides = array<i32>} : memref<16x256x256xf32, #tpu.memory_space<vmem>>, vector<1x256x256xf32>,
    %get3A_606 = arith.constant 15 : index
    %get3A_607 = arith.constant 0 : index
    %get3A_608 = memref.load %arg0[%get3A_606, %get3A_607] : memref<16x4xf32, #tpu.memory_space<smem>>
    %get3A_609 = arith.constant 15 : index
    %get3A_610 = arith.constant 1 : index
    %get3A_611 = memref.load %arg0[%get3A_609, %get3A_610] : memref<16x4xf32, #tpu.memory_space<smem>>
    %get3A_612 = arith.constant 15 : index
    %get3A_613 = arith.constant 2 : index
    %get3A_614 = memref.load %arg0[%get3A_612, %get3A_613] : memref<16x4xf32, #tpu.memory_space<smem>>
    %get3A_615 = arith.constant 15 : index
    %get3A_616 = arith.constant 3 : index
    %get3A_617 = memref.load %arg0[%get3A_615, %get3A_616] : memref<16x4xf32, #tpu.memory_space<smem>>
    %sub3A_618 = vector.broadcast %get3A_608 : f32 to vector<256x256xf32>
    %sub3A_619 = arith.subf %mul3A_1, %sub3A_618 : vector<256x256xf32>
    %sub3A_620 = vector.broadcast %get3A_611 : f32 to vector<256x256xf32>
    %sub3A_621 = arith.subf %mul3A_6, %sub3A_620 : vector<256x256xf32>
    %mul3A_622 = arith.mulf %sub3A_619, %sub3A_619 : vector<256x256xf32>
    %mul3A_623 = arith.constant 2.000000e+00 : f32
    %mul3A_624 = arith.mulf %mul3A_623, %get3A_614 : f32
    %mul3A_625 = arith.mulf %mul3A_624, %get3A_614 : f32
    %div3A_626 = vector.broadcast %mul3A_625 : f32 to vector<256x256xf32>
    %div3A_627 = arith.divf %mul3A_622, %div3A_626 : vector<256x256xf32>
    %mul3A_628 = arith.mulf %sub3A_621, %sub3A_621 : vector<256x256xf32>
    %mul3A_629 = arith.constant 2.000000e+00 : f32
    %mul3A_630 = arith.mulf %mul3A_629, %get3A_617 : f32
    %mul3A_631 = arith.mulf %mul3A_630, %get3A_617 : f32
    %div3A_632 = vector.broadcast %mul3A_631 : f32 to vector<256x256xf32>
    %div3A_633 = arith.divf %mul3A_628, %div3A_632 : vector<256x256xf32>
    %add3A_634 = arith.addf %div3A_627, %div3A_633 : vector<256x256xf32>
    %neg3A_635 = arith.constant 0.000000e+00 : f32
    %neg3A_636 = vector.broadcast %neg3A_635 : f32 to vector<256x256xf32>
    %neg3A_637 = arith.subf %neg3A_636, %add3A_634 : vector<256x256xf32>
    %exp3A_638 = math.exp %neg3A_637 : vector<256x256xf32>
    %mul3A_639 = arith.mulf %exp3A_638, %sub3A_10 : vector<256x256xf32>
    %swap3A_640 = arith.constant 15 : index
    %swap3A_641 = arith.constant 0 : index
    %swap3A_642 = arith.constant 0 : index
    %swap3A_643 = vector.load %arg2[%swap3A_640, %swap3A_641, %swap3A_642] : memref<16x256x256xf32, #tpu.memory_space<vmem>>, vector<1x256x256xf32>
    %swap3A_644 = vector.shape_cast %swap3A_643 : vector<1x256x256xf32> to vector<256x256xf32>
    %swap3A_645 = vector.shape_cast %mul3A_639 : vector<256x256xf32> to vector<1x256x256xf32>
    tpu.vector_store %arg2[%swap3A_640, %swap3A_641, %swap3A_642], %swap3A_645 {strides = array<i32>} : memref<16x256x256xf32, #tpu.memory_space<vmem>>, vector<1x256x256xf32>,
    return
  }
}

</mosaic_0001>

<sc_bundles>
// kernel: kernel.5.cloned.1.call-start
scs
__scs_entry_jumppad:
0x0: {  	(pc) =	sbr.rel $0x88, $3  }
0x1: {  	(tag) =	ssettag $0x0;
	lr =	simm.s32 $0x1  }
0x2: {  	[smem:$0x3F9E] =	sst lr;
	_ =	strace $0xD0000000  }
0x3: {  	_ = 	snop  }
0x4: {  	_ = 	snop  }
0x5: {  	_ = 	snop  }
0x6: {  	_ = 	snop  }
0x7: {  	_ = 	snop  }
__scs_overlays_trampoline_lowered:
0x8: {  	[smem:$0x3FAD] =	sst s0  }
0x9: {  	[smem:$0x3FAE] =	sst s1  }
0xa: {  	[smem:$0x3FAF] =	sst s2  }
0xb: {  	[smem:$0x3FB0] =	sst s3  }
0xc: {  	[smem:$0x3FB1] =	sst s4  }
0xd: {  	[smem:$0x3FB2] =	sst s5  }
0xe: {  	[smem:$0x3FB3] =	sst s6  }
0xf: {  	[smem:$0x3FB4] =	sst s7  }
0x10: {  	[smem:$0x3FB5] =	sst s8  }
0x11: {  	[smem:$0x3FB6] =	sst s9;
	s0 =	simm.s32 @!p0 $0x0  }
0x12: {  	s1 =	sld [smem:$0x3F9C];
	s0 =	simm.s32 @p0 $0x1  }
0x13: {  	[smem:$0x3FB7] =	sst s0;
	s0 =	simm.s32 @!p1 $0x0  }
0x14: {  	s2 =	sld [smem:$0x3F9B];
	s0 =	simm.s32 @p1 $0x1  }
0x15: {  	[smem:$0x3FB8] =	sst s0;
	s0 =	simm.s32 @!p2 $0x0  }
0x16: {  	s3 =	sld [smem:$0x3FDB];
	s0 =	simm.s32 @p2 $0x1  }
0x17: {  	s4 =	simm.s32 $0x1BF5;
	[smem:$0x3FBA] =	sst s0  }
0x18: {  	s0 =	sld [smem:$0x3F9D];
	_ =	swait.ge [sflag:s4], $0x0  }
0x19: {  	s7 =	sld [smem:$0x3F9E]  }
0x1a: {  	s8 =	sadd.s32 $0xFFFFE003, lr  }
0x1b: {  	s9 =	sadd.s32 $0xFFFFFEF7, lr;
	s5 =	simm.s32 $0xFFFFFFFF;
	p2 =	slt.u32 s8, $0xFFFFF086  }
0x1c: {  	p1 =	slt.u32 s9, $0xF7A;
	s5 =	simm.s32 @!p2 $0x0  }
0x1d: {  	s5 =	simm.s32 @p1 $0x1;
	p0 =	seq.s32 s7, s2  }
0x1e: {  	s7 =	smul.u32 @!p0 $0xF7A, s2;
	p2 =	seq.s32 @!p0 s5, $0x0  }
0x1f: {  	s9 =	smul.u32 $0xF7A, s1;
	s8 =	simm.s32 @!p0 $0x1BF5;
	p2 =	por !p2, p0  }
0x20: {  	[sflag:s8] =	ssyncset.s32 @!p0 $0xFFFFF086;
	s6 =	sadd.s32 @!p0 s3, s7;
	s7 =	simm.s32 @!p0 $0x108  }
0x21: {  	s3 =	sadd.s32 s3, s9;
	s6 =	sadd.s32 @!p0 $0x88, s6;
	s7 =	simm.s32 @p2 $0x1082  }
0x22: {  	[simem:s7], [sflag:s8] =	dma.local @!p0 [hbm:s6], $0xF7A  }
0x23: {  	s9 =	sor.u32 $0xD0000000, s2;
	s6 =	simm.s32 $0x108;
	_ =	swait.ge @!p0 [sflag:s8], $0x0  }
0x24: {  	s3 =	sadd.s32 $0x88, s3;
	s6 =	simm.s32 @!p1 $0x1082;
	[sflag:s4] =	ssyncset.s32 $0xFFFFF086  }
0x25: {  	[simem:s6], [sflag:s4] =	dma.local [hbm:s3], $0xF7A  }
0x26: {  	[smem:$0x3F9E] =	sst s1;
	(tag) =	ssettag s2;
	_ =	strace s9  }
0x27: {  	s1 =	sld [smem:$0x3FAE]  }
0x28: {  	s2 =	sld [smem:$0x3FAF]  }
0x29: {  	s4 =	sld [smem:$0x3FB1]  }
0x2a: {  	p0 =	seq.s32 s5, $0x0;
	s5 =	sld [smem:$0x3FB2]  }
0x2b: {  	s6 =	sld [smem:$0x3FB3]  }
0x2c: {  	s7 =	sld [smem:$0x3FB4]  }
0x2d: {  	s3 =	simm.s32 $0x108;
	s8 =	sld [smem:$0x3FB5]  }
0x2e: {  	s3 =	simm.s32 @!p0 $0x1082;
	s9 =	sld [smem:$0x3FB6]  }
0x2f: {  	lr =	sadd.s32 s0, s3;
	s0 =	sld [smem:$0x3FAD]  }
0x30: {  	s3 =	sld [smem:$0x3FB0]  }
0x31: {  	[smem:$0x3FB9] =	sst s10  }
0x32: {  	s10 =	sld [smem:$0x3FB7];
	_ =	sdelay $0x3  }
0x33: {  	p0 =	seq.s32 s10, $0x1;
	s10 =	sld [smem:$0x3FB9];
	_ =	sdelay $0x3  }
0x34: {  	[smem:$0x3FB9] =	sst s10  }
0x35: {  	s10 =	sld [smem:$0x3FB8];
	_ =	sdelay $0x3  }
0x36: {  	p1 =	seq.s32 s10, $0x1;
	s10 =	sld [smem:$0x3FB9];
	_ =	sdelay $0x3  }
0x37: {  	[smem:$0x3FB9] =	sst s10  }
0x38: {  	s10 =	sld [smem:$0x3FBA]  }
0x39: {  	_ = 	snop;
	(pc) =	sbr.ind lr, $3  }
0x3a: {  	_ = 	snop  }
0x3b: {  	_ = 	snop  }
0x3c: {  	p2 =	seq.s32 s10, $0x1;
	s10 =	sld [smem:$0x3FB9]  }
0x3d: {  	_ =	shalt  }
0x3e: {  	_ =	shalt  }
0x3f: {  	_ =	shalt  }
0x40: {  	_ =	shalt  }
0x41: {  	_ =	shalt  }
0x42: {  	_ =	shalt  }
0x43: {  	_ =	shalt  }
0x44: {  	_ =	shalt  }
0x45: {  	_ =	shalt  }
0x46: {  	_ =	shalt  }
0x47: {  	_ =	shalt  }
0x48: {  	_ =	shalt  }
0x49: {  	_ =	shalt  }
0x4a: {  	_ =	shalt  }
0x4b: {  	_ =	shalt  }
0x4c: {  	_ =	shalt  }
0x4d: {  	_ =	shalt  }
0x4e: {  	_ =	shalt  }
0x4f: {  	_ =	shalt  }
0x50: {  	_ =	shalt  }
0x51: {  	_ =	shalt  }
0x52: {  	_ =	shalt  }
0x53: {  	_ =	shalt  }
0x54: {  	_ =	shalt  }
0x55: {  	_ =	shalt  }
0x56: {  	_ =	shalt  }
0x57: {  	_ =	shalt  }
0x58: {  	_ =	shalt  }
0x59: {  	_ =	shalt  }
0x5a: {  	_ =	shalt  }
0x5b: {  	_ =	shalt  }
0x5c: {  	_ =	shalt  }
0x5d: {  	_ =	shalt  }
0x5e: {  	_ =	shalt  }
0x5f: {  	_ =	shalt  }
0x60: {  	_ =	shalt  }
0x61: {  	_ =	shalt  }
0x62: {  	_ =	shalt  }
0x63: {  	_ =	shalt  }
0x64: {  	_ =	shalt  }
0x65: {  	_ =	shalt  }
0x66: {  	_ =	shalt  }
0x67: {  	_ =	shalt  }
0x68: {  	_ =	shalt  }
0x69: {  	_ =	shalt  }
0x6a: {  	_ =	shalt  }
0x6b: {  	_ =	shalt  }
0x6c: {  	_ =	shalt  }
0x6d: {  	_ =	shalt  }
0x6e: {  	_ =	shalt  }
0x6f: {  	_ =	shalt  }
0x70: {  	_ =	shalt  }
0x71: {  	_ =	shalt  }
0x72: {  	_ =	shalt  }
0x73: {  	_ =	shalt  }
0x74: {  	_ =	shalt  }
0x75: {  	_ =	shalt  }
0x76: {  	_ =	shalt  }
0x77: {  	_ =	shalt  }
0x78: {  	_ =	shalt  }
0x79: {  	_ =	shalt  }
0x7a: {  	_ =	shalt  }
0x7b: {  	_ =	shalt  }
0x7c: {  	_ =	shalt  }
0x7d: {  	_ =	shalt  }
0x7e: {  	_ =	shalt  }
0x7f: {  	_ =	shalt  }
0x80: {  	_ =	shalt  }
0x81: {  	_ =	shalt  }
0x82: {  	_ =	shalt  }
0x83: {  	_ =	shalt  }
0x84: {  	_ =	shalt  }
0x85: {  	_ =	shalt  }
0x86: {  	_ =	shalt  }
0x87: {  	_ =	shalt  }
.Lfunc_end0:
.L_simem_size_0:
called_computation_lowered:
.L_overlay_start_0:
0x88: {  	s2 =	sld [smem:$0x3FD9]  }
0x89: {  	s3 =	sld [smem:$0x3FFE];
	_ =	sdelay $0x1  }
0x8a: {  	s1 =	srdreg.scid  }
0x8b: {  	s0 =	sand.u32 $0x1, s1  }
0x8c: {  	s16 =	sshll.u32 s0, $0xA;
	s2 =	sadd.s32 s3, s2  }
0x8d: {  	s2 =	sadd.s32 s2, s16  }
0x8e: {  	[smem:$0x3FC5] =	sst s2  }
0x8f: {  	_ = 	snop  }
0x90: {  	(tm) =	ssettm $0x1  }
0x91: {  	s17 =	sld [smem:$0x3FFB];
	_ =	sdelay $0x3  }
0x92: {  	_ =	strace s17  }
0x93: {  	s2 =	sld [smem:$0x3FFC];
	_ =	sdelay $0x3  }
0x94: {  	_ =	strace s2  }
0x95: {  	s2 =	sld [smem:$0x3FFD];
	_ =	sdelay $0x3  }
0x96: {  	_ =	strace s2  }
0x97: {  	_ =	strace $0x8FFFFFFF  }
0x98: {  	s18 =	sld [smem:$0x3FDB];
	_ =	sdelay $0x1  }
0x99: {  	s19 =	simm.s32 $_scs_section_size  }
0x9a: {  	s4 =	simm.s32 $_size__tile_overlayer_lowered;
	s5 =	simm.s32 $_tile_overlayer_lowered  }
0x9b: {  	s22 =	simm.s32 $0x1BFF;
	s21 =	sshll.u32 s5, $0x1;
	s2 =	sadd.s32 s19, s18  }
0x9c: {  	s6 =	simm.s32 $0x0;
	s20 =	sshll.u32 s4, $0x1;
	s4 =	sadd.s32 s21, s2  }
0x9d: {  	[timem:s6], [sflag:s22] =	dma.local [hbm:s4], s20  }
0x9e: {  	_ =	swait.ge [sflag:s22], s20  }
0x9f: {  	s3 =	ssub.s32 $0x0, s20;
	[sflag:s22] =	ssyncset.done $0x0  }
0xa0: {  	[sflag:s22] =	ssyncadd.s32 s3;
	_ =	sdelay $0x1  }
0xa1: {  	s23 =	simm.s32 $0x1B8B  }
0xa2: {  	_ =	swait.ge [sflag:s23], $0x1  }
0xa3: {  	[sflag:s23] =	ssyncset.done $0x0  }
0xa4: {  	s25 =	simm.s32 $0x1B8E;
	s24 =	sld [smem:$0x3FFE];
	[sflag:s23] =	ssyncadd.s32 $0xFFFFFFFF  }
0xa5: {  	s26 =	simm.s32 $execute0_lowered;
	[smem:$0x3FD2] =	sst s25  }
0xa6: {  	s4 =	sshll.u32 s26, $0x1;
	_ =	strace $0x80000046;
	[dreg:$0x1] =	wrdreg $0xFFFFFFFF  }
0xa7: {  	s28 =	simm.s32 $_size_execute0_lowered;
	s2 =	sadd.s32 s2, s4;
	[dreg:$0x0] =	wrdreg $0x0  }
0xa8: {  	s4 =	sshll.u32 s28, $0x1;
	[dreg:$0x2] =	wrdreg s2  }
0xa9: {  	[dreg:$0x3] =	wrdreg s4  }
0xaa: {  	[dreg:$0x4] =	wrdreg $0xC0  }
0xab: {  	_ =	task [dreg:s6], $0x5FFFF  }
0xac: {  	[dreg:$0x1] =	wrdreg $0xFFFFFFFF  }
0xad: {  	[dreg:$0x0] =	wrdreg $0x60  }
0xae: {  	[dreg:$0x2] =	wrdreg s24  }
0xaf: {  	[dreg:$0x3] =	wrdreg $0x5D800  }
0xb0: {  	[dreg:$0x4] =	wrdreg $0x9  }
0xb1: {  	_ =	task.clear_ibuf [dreg:s6], $0x5FFFF;
	_ =	strace $0x90000046  }
0xb2: {  	s29 =	simm.s32 $0x9;
	_ =	strace $0x80000048  }
0xb3: {  	_ =	swait.ge [sflag:s29], $0x1  }
0xb4: {  	[sflag:s29] =	ssyncadd.s32 $0xFFFFFFFF  }
0xb5: {  	_ =	strace $0x90000048  }
0xb6: {  	_ =	sfence  }
0xb7: {  	s30 =	sld [smem:$0x0];
	_ =	sdelay $0x2  }
0xb8: {  	s31 =	sshll.u32 s1, $0xD;
	s1 =	sshrl.u32 s1, $0x2  }
0xb9: {  	s3 =	sand.u32 $0x4000, s31;
	s1 =	sadd.s32 s1, s30  }
0xba: {  	s0 =	sor.u32 s3, s0;
	s1 =	sshll.u32 s1, $0x11  }
0xbb: {  	s0 =	sor.u32 s1, s0  }
0xbc: {  	s0 =	sadd.s32 $0x8F2B, s0  }
0xbd: {  	[sflag:s0] =	ssyncadd.remote.s32 $0x1  }
0xbe: {  	_ =	sfence.sel $0xFFFF  }
0xbf: {  	[dreg:$0x0] =	wrdreg $0xFFFFFFFF;
	(pc) =	sbr.abs _section_cstart, $3  }
0xc0: {  	[dreg:$0x1] =	wrdreg $0xFFFFFFFF  }
0xc1: {  	_ =	task.clear_ibuf [dreg:s6], $0x2FFFF;
	_ =	strace $0x9FFFFFFF  }
0xc2: {  	(tm) =	ssettm $0x7FFFFFFF  }
0xc3: {  	_ =	shalt  }
tec
execute0_lowered:
.L_overlay_start_1:
0x0: {  	(tag) =	ssettag $0x1  }
0x1: {  	s4 =	rddreg [dreg:$0x0];
	s1 =	srdreg.scid  }
0x2: {  	s0 =	stileid.u32;
	s2 =	rddreg [dreg:$0x1]  }
0x3: {  	s3 =	simm.s32 $0x0;
	s10 =	simm.s32 $0x100;
	s11 =	simm.s32 $0x1880  }
0x4: {  	s12 =	simm.s32 $0x4D80;
	s13 =	simm.s32 $0x3;
	s14 =	simm.s32 $0x1  }
0x5: {  	s15 =	simm.s32 $0x4D00;
	s16 =	simm.s32 $0x2;
	s19 =	simm.s32 $0x20  }
0x6: {  	s20 =	simm.s32 $0x10;
	s5 =	sand.u32 $0x1, s1;
	s1 =	rddreg [dreg:$0x2]  }
0x7: {  	s21 =	simm.s32 $0x0;
	s6 =	sshll.u32 s0, $0x1;
	[smem:$0x7FF] =	sst s3  }
0x8: {  	s31 =	sshll.u32 s0, $0xA;
	s9 =	sshll.u32 s0, $0xC;
	s17 =	sshll.u32 s0, $0x6  }
0x9: {  	s6 =	sor.u32 s5, s6;
	s7 =	ssub.s32 $0x2, s5;
	s5 =	sshll.u32 s5, $0x4  }
0xa: {  	s6 =	smul.u32 $0x620, s6;
	s8 =	sshrl.u32 s7, $0x1;
	s5 =	sadd.s32 s5, s4  }
0xb: {  	_ =	strace $0x80000047;
	s8 =	ssub.s32 s7, s8;
	s7 =	sadd.s32 s31, s5  }
0xc: {  	s17 =	sor.u32 $0x1C03, s17;
	s6 =	sadd.s32 s6, s4;
	s7 =	sadd.s32 $0xCE00, s7  }
0xd: {  	s4 =	sadd.s32 $0xA00, s6;
	s5 =	sadd.s32 $0xA10, s6;
	s6 =	sadd.s32 s9, s2  }
0xe: {  	v0 =	vimm.f32 $1.000000000e+00;
	v1 =	vimm.f32 $0.0e+00;
	s8 =	smax.u32 s8, $0x1;
	s9 =	simm.s32 $0x80;
	s18 =	sshrl.u32 s6, $0x3  }
.LBB2_1:
0xf: {  	[tilespmem:s3], [sflag:$0x1] =	stream.strided.gather [hbm4b:s4+s9], $0x1880, s10, s9, $0x38;
	[tilespmem:$0x6D80] =	vst v63  }
0x10: {  	_ = 	snop  }
0x11: {  	[tilespmem:s11], [sflag:$0x1] =	stream.strided.gather [hbm4b:s5+s9], $0x1880, s10, s9, $0x38;
	[tilespmem:$0x6D80] =	vst v63  }
0x12: {  	[tilespmem:$0x4D00] =	vst v0  }
0x13: {  	[tilespmem:$0x4D10] =	vst v0  }
0x14: {  	[tilespmem:$0x4D20] =	vst v0  }
0x15: {  	[tilespmem:$0x4D30] =	vst v0  }
0x16: {  	[tilespmem:$0x4D40] =	vst v0  }
0x17: {  	[tilespmem:$0x4D50] =	vst v0  }
0x18: {  	[tilespmem:$0x4D60] =	vst v0  }
0x19: {  	s22 =	simm.s32 $0x40;
	s23 =	simm.s32 $0x0;
	[tilespmem:$0x4D70] =	vst v0  }
.LBB2_2:
0x1a: {  	p0 =	sne.s32 s22, $0x3FC0;
	[tilespmem:s23+$0x4D80] =	vst v1;
	s23 =	smov.u32 s22;
	s22 =	sadd.s32 $0x40, s22  }
.Ltmp0:
0x1b: {  	(pc) =	sbr.rel @p0 .LBB2_2-.Ltmp0, $2  }
0x1c: {  	_ =	sdelay $0x2  }
0x1d: {  	s23 =	sshra.s32 s23, $0x2  }
0x1e: {  	[tilespmem:s23+$0x4D80] =	vst v1  }
0x1f: {  	[spmem:s6] =	stream.linear.scatter [tilespmem:s12], [sflag:$0x3], $0x1000, $0x38;
	[tilespmem:$0x6D80] =	vst v63  }
0x20: {  	_ =	swait.ge [sflag:s13], $0x1000  }
0x21: {  	[sflag:s13] =	ssyncset.done $0x0  }
0x22: {  	[sflag:s13] =	ssyncadd.s32 $0xFFFFF000  }
0x23: {  	[bflag:$0x0] =	sbarrier.arrive $0xFFFF  }
0x24: {  	_ =	swait.ge [sflag:s14], $0x1880  }
0x25: {  	[sflag:s14] =	ssyncset.done $0x0  }
0x26: {  	[sflag:s14] =	ssyncadd.s32 $0xFFFFE780  }
0x27: {  	_ =	swait.ge [sflag:s14], $0x1880  }
0x28: {  	[sflag:s14] =	ssyncset.done $0x0  }
0x29: {  	s22 =	simm.s32 $0x0;
	[sflag:s14] =	ssyncadd.s32 $0xFFFFE780  }
0x2a: {  	v2 =	vld [tilespmem:s22+$0x1880]  }
0x2b: {  	v3 =	vld [tilespmem:s22+$0x1890]  }
0x2c: {  	v4 =	vld [tilespmem:s22+$0x18A0]  }
0x2d: {  	v5 =	vld [tilespmem:s22+$0x18B0]  }
0x2e: {  	v6 =	vld [tilespmem:s22+$0x18C0]  }
0x2f: {  	v7 =	vld [tilespmem:s22+$0x18D0]  }
0x30: {  	v8 =	vld [tilespmem:s22+$0x18E0];
	_ =	sdelay $0x1  }
0x31: {  	v11 =	vld [tilespmem:s22+$0x0];
	v2 =	vmul.f32 $2.560000000e+02, v2;
	v3 =	vmul.f32 $2.560000000e+02, v3  }
0x32: {  	v4 =	vmul.f32 $2.560000000e+02, v4;
	v5 =	vmul.f32 $2.560000000e+02, v5  }
0x33: {  	v6 =	vmul.f32 $2.560000000e+02, v6;
	v10 =	vmul.f32 $2.560000000e+02, v7  }
0x34: {  	v8 =	vmul.f32 $2.560000000e+02, v8;
	v2 =	vtrunc.f32 v2  }
0x35: {  	v3 =	vtrunc.f32 v3;
	v2 =	vcvt.f32.s32 v2  }
0x36: {  	v11 =	vmul.f32 $2.560000000e+02, v11;
	v3 =	vcvt.f32.s32 v3  }
0x37: {  	v4 =	vtrunc.f32 v4;
	v5 =	vtrunc.f32 v5;
	vm0 =	vgt.s32 v2, $0x0  }
0x38: {  	v4 =	vcvt.f32.s32 v4;
	v2 =	vnsel vm0, $0x0, v2;
	vm0 =	vgt.s32 v3, $0x0  }
0x39: {  	v9 =	vmin.u32 v2, $0xFF;
	v2 =	vnsel vm0, $0x0, v3;
	v3 =	vcvt.f32.s32 v5  }
0x3a: {  	v6 =	vtrunc.f32 v6;
	v5 =	vld [tilespmem:s22+$0x18F0];
	vm0 =	vgt.s32 v4, $0x0;
	v7 =	vmin.u32 v2, $0xFF  }
0x3b: {  	v12 =	vld [tilespmem:s22+$0x10];
	v2 =	vnsel vm0, $0x0, v4;
	v4 =	vcvt.f32.s32 v6;
	vm0 =	vgt.s32 v3, $0x0  }
0x3c: {  	v10 =	vtrunc.f32 v10;
	v6 =	vmin.u32 v2, $0xFF;
	v2 =	vnsel vm0, $0x0, v3  }
0x3d: {  	v3 =	vcvt.f32.s32 v10;
	vm0 =	vgt.s32 v4, $0x0;
	v10 =	vtrunc.f32 v8  }
0x3e: {  	v13 =	vld [tilespmem:s22+$0x20];
	v8 =	vmin.u32 v2, $0xFF;
	v2 =	vnsel vm0, $0x0, v4;
	v10 =	vcvt.f32.s32 v10  }
0x3f: {  	v14 =	vld [tilespmem:s22+$0x30];
	v5 =	vmul.f32 $2.560000000e+02, v5;
	vm0 =	vgt.s32 v3, $0x0;
	v4 =	vmin.u32 v2, $0xFF  }
0x40: {  	v2 =	vnsel vm0, $0x0, v3;
	v3 =	vtrunc.f32 v11;
	v11 =	vmul.f32 $2.560000000e+02, v12  }
0x41: {  	vm0 =	vgt.s32 v10, $0x0;
	v5 =	vtrunc.f32 v5;
	v12 =	vcvt.f32.s32 v3  }
0x42: {  	v3 =	vmin.u32 v2, $0xFF;
	v2 =	vnsel vm0, $0x0, v10;
	v5 =	vcvt.f32.s32 v5  }
0x43: {  	v10 =	vtrunc.f32 v11;
	v2 =	vmin.u32 v2, $0xFF;
	v11 =	vmul.f32 $2.560000000e+02, v13  }
0x44: {  	v13 =	vmul.f32 $2.560000000e+02, v14;
	vm1 =	vgt.s32 v12, $0x0;
	v10 =	vcvt.f32.s32 v10  }
0x45: {  	vm0 =	vgt.s32 v5, $0x0;
	v12 =	vnsel vm1, $0x0, v12;
	v14 =	vtrunc.f32 v11;
	v11 =	vld [tilespmem:s22+$0x40]  }
0x46: {  	v13 =	vtrunc.f32 v13;
	v5 =	vnsel vm0, $0x0, v5;
	vm0 =	vgt.s32 v10, $0x0  }
0x47: {  	v12 =	vmin.u32 v12, $0xFF;
	v14 =	vcvt.f32.s32 v14;
	v10 =	vnsel vm0, $0x0, v10  }
0x48: {  	v13 =	vcvt.f32.s32 v13;
	v12 =	vshll.u32 v12, $0x8;
	v15 =	vmin.u32 v10, $0xFF;
	v10 =	vld [tilespmem:s22+$0x50]  }
0x49: {  	s23 =	simm.s32 $0x200;
	v9 =	vor.u32 v9, v12;
	vm0 =	vgt.s32 v14, $0x0;
	v12 =	vld [tilespmem:s22+$0x60];
	v15 =	vshll.u32 v15, $0x8  }
.LBB2_4:
0x4a: {  	p0 =	sne.s32 s23, $0x6000;
	v14 =	vnsel vm0, $0x0, v14;
	vm0 =	vgt.s32 v13, $0x0;
	v11 =	vmul.f32 $2.560000000e+02, v11;
	v16 =	vld [tilespmem:s22+$0x70]  }
0x4b: {  	v7 =	vor.u32 v7, v15;
	v14 =	vmin.u32 v14, $0xFF;
	v13 =	vnsel vm0, $0x0, v13  }
0x4c: {  	v14 =	vshll.u32 v14, $0x8;
	v13 =	vmin.u32 v13, $0xFF;
	v11 =	vtrunc.f32 v11  }
0x4d: {  	v13 =	vshll.u32 v13, $0x8;
	v11 =	vcvt.f32.s32 v11;
	v10 =	vmul.f32 $2.560000000e+02, v10  }
0x4e: {  	v6 =	vor.u32 v6, v14;
	v8 =	vor.u32 v8, v13;
	v12 =	vmul.f32 $2.560000000e+02, v12  }
0x4f: {  	vm0 =	vgt.s32 v11, $0x0;
	v10 =	vtrunc.f32 v10;
	v13 =	vmul.f32 $2.560000000e+02, v16  }
0x50: {  	v11 =	vnsel vm0, $0x0, v11;
	v10 =	vcvt.f32.s32 v10;
	v12 =	vtrunc.f32 v12  }
0x51: {  	v11 =	vmin.u32 v11, $0xFF;
	v12 =	vcvt.f32.s32 v12;
	v13 =	vtrunc.f32 v13  }
0x52: {  	[tilespmem:s22+$0x3100] =	vst v9;
	v9 =	vshll.u32 v11, $0x8;
	vm0 =	vgt.s32 v10, $0x0;
	v11 =	vcvt.f32.s32 v13  }
0x53: {  	[tilespmem:s22+$0x3110] =	vst v7;
	v4 =	vor.u32 v4, v9;
	v7 =	vnsel vm0, $0x0, v10;
	vm0 =	vgt.s32 v12, $0x0  }
0x54: {  	[tilespmem:s22+$0x3120] =	vst v6;
	v6 =	vmin.u32 v7, $0xFF;
	v7 =	vnsel vm0, $0x0, v12;
	vm0 =	vgt.s32 v11, $0x0  }
0x55: {  	[tilespmem:s22+$0x3130] =	vst v8;
	v6 =	vshll.u32 v6, $0x8;
	v7 =	vmin.u32 v7, $0xFF;
	v8 =	vnsel vm0, $0x0, v11  }
0x56: {  	[tilespmem:s22+$0x3140] =	vst v4;
	v3 =	vor.u32 v3, v6;
	v4 =	vshll.u32 v7, $0x8;
	v6 =	vmin.u32 v8, $0xFF  }
0x57: {  	[tilespmem:s22+$0x3150] =	vst v3;
	v2 =	vor.u32 v2, v4;
	v3 =	vmin.u32 v5, $0xFF;
	v4 =	vshll.u32 v6, $0x8  }
0x58: {  	s24 =	sshra.s32 s23, $0x2;
	s25 =	sadd.s32 $0x3100, s22;
	[tilespmem:s22+$0x3160] =	vst v2;
	v2 =	vor.u32 v3, v4  }
0x59: {  	[tilespmem:s22+$0x3170] =	vst v2;
	[spmem:s2] =	stream.indirect.scatter.add.f32 [tilespmem:s15], [sflag:$0x2], $0x1, s25, s9, $0xb8  }
0x5a: {  	s22 =	smov.u32 s24;
	v2 =	vld [tilespmem:s24+$0x1880];
	_ =	sdelay $0x1  }
0x5b: {  	v3 =	vld [tilespmem:s22+$0x1890];
	_ =	sdelay $0x1  }
0x5c: {  	v4 =	vld [tilespmem:s22+$0x18A0]  }
0x5d: {  	v2 =	vmul.f32 $2.560000000e+02, v2  }
0x5e: {  	v5 =	vld [tilespmem:s22+$0x18B0]  }
0x5f: {  	v2 =	vtrunc.f32 v2;
	v3 =	vmul.f32 $2.560000000e+02, v3  }
0x60: {  	v2 =	vcvt.f32.s32 v2;
	v6 =	vld [tilespmem:s22+$0x18C0]  }
0x61: {  	v3 =	vtrunc.f32 v3;
	v4 =	vmul.f32 $2.560000000e+02, v4  }
0x62: {  	v3 =	vcvt.f32.s32 v3;
	v7 =	vld [tilespmem:s22+$0x18D0]  }
0x63: {  	vm0 =	vgt.s32 v2, $0x0;
	v4 =	vtrunc.f32 v4;
	v5 =	vmul.f32 $2.560000000e+02, v5  }
0x64: {  	v2 =	vnsel vm0, $0x0, v2;
	v4 =	vcvt.f32.s32 v4;
	v8 =	vld [tilespmem:s22+$0x18E0]  }
0x65: {  	vm0 =	vgt.s32 v3, $0x0;
	v5 =	vtrunc.f32 v5;
	v6 =	vmul.f32 $2.560000000e+02, v6  }
0x66: {  	v9 =	vmin.u32 v2, $0xFF;
	v2 =	vnsel vm0, $0x0, v3;
	v3 =	vcvt.f32.s32 v5;
	v5 =	vld [tilespmem:s22+$0x18F0]  }
0x67: {  	vm0 =	vgt.s32 v4, $0x0;
	v6 =	vtrunc.f32 v6;
	v10 =	vmul.f32 $2.560000000e+02, v7  }
0x68: {  	v7 =	vmin.u32 v2, $0xFF;
	v2 =	vnsel vm0, $0x0, v4;
	v11 =	vld [tilespmem:s22+$0x0];
	v4 =	vcvt.f32.s32 v6  }
0x69: {  	vm0 =	vgt.s32 v3, $0x0;
	v10 =	vtrunc.f32 v10;
	v8 =	vmul.f32 $2.560000000e+02, v8  }
0x6a: {  	v6 =	vmin.u32 v2, $0xFF;
	v2 =	vnsel vm0, $0x0, v3;
	v12 =	vld [tilespmem:s22+$0x10];
	v3 =	vcvt.f32.s32 v10  }
0x6b: {  	vm0 =	vgt.s32 v4, $0x0;
	v10 =	vtrunc.f32 v8;
	v5 =	vmul.f32 $2.560000000e+02, v5  }
0x6c: {  	v8 =	vmin.u32 v2, $0xFF;
	v2 =	vnsel vm0, $0x0, v4;
	v10 =	vcvt.f32.s32 v10  }
0x6d: {  	vm0 =	vgt.s32 v3, $0x0;
	v11 =	vmul.f32 $2.560000000e+02, v11;
	v13 =	vld [tilespmem:s22+$0x20];
	v5 =	vtrunc.f32 v5  }
0x6e: {  	v4 =	vmin.u32 v2, $0xFF;
	v2 =	vnsel vm0, $0x0, v3;
	v14 =	vld [tilespmem:s22+$0x30];
	v5 =	vcvt.f32.s32 v5  }
0x6f: {  	vm0 =	vgt.s32 v10, $0x0;
	v3 =	vtrunc.f32 v11;
	v11 =	vmul.f32 $2.560000000e+02, v12  }
0x70: {  	v12 =	vcvt.f32.s32 v3;
	v3 =	vmin.u32 v2, $0xFF;
	v2 =	vnsel vm0, $0x0, v10  }
0x71: {  	vm0 =	vgt.s32 v5, $0x0;
	v10 =	vtrunc.f32 v11;
	v2 =	vmin.u32 v2, $0xFF  }
0x72: {  	vm1 =	vgt.s32 v12, $0x0;
	v10 =	vcvt.f32.s32 v10;
	v13 =	vmul.f32 $2.560000000e+02, v13  }
.Ltmp1:
0x73: {  	v5 =	vnsel vm0, $0x0, v5;
	v12 =	vnsel vm1, $0x0, v12;
	v15 =	vmul.f32 $2.560000000e+02, v14;
	v11 =	vld [tilespmem:s22+$0x40];
	(pc) =	sbr.rel @p0 .LBB2_4-.Ltmp1, $4  }
0x74: {  	v12 =	vmin.u32 v12, $0xFF;
	vm0 =	vgt.s32 v10, $0x0;
	v13 =	vtrunc.f32 v13  }
0x75: {  	v10 =	vnsel vm0, $0x0, v10;
	v14 =	vcvt.f32.s32 v13;
	v13 =	vtrunc.f32 v15  }
0x76: {  	v12 =	vshll.u32 v12, $0x8;
	v15 =	vmin.u32 v10, $0xFF;
	v13 =	vcvt.f32.s32 v13;
	v10 =	vld [tilespmem:s22+$0x50]  }
0x77: {  	s23 =	sadd.s32 $0x200, s23;
	v9 =	vor.u32 v9, v12;
	v15 =	vshll.u32 v15, $0x8;
	vm0 =	vgt.s32 v14, $0x0;
	v12 =	vld [tilespmem:s22+$0x60]  }
0x78: {  	v14 =	vnsel vm0, $0x0, v14;
	vm11 =	vgt.s32 v13, $0x0;
	v11 =	vmul.f32 $2.560000000e+02, v11;
	v16 =	vld [tilespmem:s22+$0x70]  }
0x79: {  	v7 =	vor.u32 v7, v15;
	v14 =	vmin.u32 v14, $0xFF;
	v13 =	vnsel vm11, $0x0, v13  }
0x7a: {  	v14 =	vshll.u32 v14, $0x8;
	v13 =	vmin.u32 v13, $0xFF;
	v11 =	vtrunc.f32 v11  }
0x7b: {  	v13 =	vshll.u32 v13, $0x8;
	v11 =	vcvt.f32.s32 v11;
	v10 =	vmul.f32 $2.560000000e+02, v10  }
0x7c: {  	v6 =	vor.u32 v6, v14;
	v8 =	vor.u32 v8, v13;
	v12 =	vmul.f32 $2.560000000e+02, v12  }
0x7d: {  	vm12 =	vgt.s32 v11, $0x0;
	v10 =	vtrunc.f32 v10;
	v54 =	vmul.f32 $2.560000000e+02, v16  }
0x7e: {  	v11 =	vnsel vm12, $0x0, v11;
	v10 =	vcvt.f32.s32 v10;
	v12 =	vtrunc.f32 v12  }
0x7f: {  	v11 =	vmin.u32 v11, $0xFF;
	v12 =	vcvt.f32.s32 v12;
	v13 =	vtrunc.f32 v54  }
0x80: {  	[tilespmem:s22+$0x3100] =	vst v9;
	v55 =	vshll.u32 v11, $0x8;
	vm13 =	vgt.s32 v10, $0x0;
	v56 =	vcvt.f32.s32 v13  }
0x81: {  	[tilespmem:s22+$0x3110] =	vst v7;
	v4 =	vor.u32 v4, v55;
	v57 =	vnsel vm13, $0x0, v10;
	vm14 =	vgt.s32 v12, $0x0  }
0x82: {  	[tilespmem:s22+$0x3120] =	vst v6;
	v58 =	vmin.u32 v57, $0xFF;
	v59 =	vnsel vm14, $0x0, v12;
	vm15 =	vgt.s32 v56, $0x0  }
0x83: {  	[tilespmem:s22+$0x3130] =	vst v8;
	v6 =	vshll.u32 v58, $0x8;
	v7 =	vmin.u32 v59, $0xFF;
	v60 =	vnsel vm15, $0x0, v56  }
0x84: {  	[tilespmem:s22+$0x3140] =	vst v4;
	v3 =	vor.u32 v3, v6;
	v61 =	vshll.u32 v7, $0x8;
	v62 =	vmin.u32 v60, $0xFF  }
0x85: {  	[tilespmem:s22+$0x3150] =	vst v3;
	v2 =	vor.u32 v2, v61;
	v3 =	vmin.u32 v5, $0xFF;
	v63 =	vshll.u32 v62, $0x8  }
0x86: {  	[tilespmem:s22+$0x3160] =	vst v2;
	v2 =	vor.u32 v3, v63  }
0x87: {  	s23 =	sadd.s32 $0x3100, s22;
	[tilespmem:s22+$0x3170] =	vst v2  }
0x88: {  	[spmem:s2] =	stream.indirect.scatter.add.f32 [tilespmem:s15], [sflag:$0x2], $0x1, s23, s9, $0xb8;
	[tilespmem:$0x6D80] =	vst v63  }
0x89: {  	_ =	swait.ge [sflag:s16], $0x80  }
0x8a: {  	s22 =	simm.s32 $0x30;
	[sflag:s16] =	ssyncset.done $0x0  }
.LBB2_6:
0x8b: {  	p0 =	sne.s32 s22, $0x1;
	s22 =	sadd.s32 $0xFFFFFFFF, s22;
	[sflag:s16] =	ssyncadd.s32 $0xFFFFFF80  }
.Ltmp2:
0x8c: {  	(pc) =	sbr.rel @p0 .LBB2_6-.Ltmp2, $3  }
0x8d: {  	_ =	sdelay $0x1  }
0x8e: {  	_ =	swait.ge [sflag:s16], $0x80  }
0x8f: {  	[sflag:s16] =	ssyncset.done $0x0  }
0x90: {  	s21 =	sadd.s32 $0x1, s21  }
0x91: {  	[sflag:s16] =	ssyncadd.s32 $0xFFFFFF80;
	p0 =	sne.s32 s21, s8  }
.Ltmp3:
0x92: {  	[bflag:$0x0] =	sbarrier.arrive $0xFFFF;
	(pc) =	sbr.rel @p0 .LBB2_1-.Ltmp3, $4  }
0x93: {  	[hbm:s7@s19], [sflag:s17] =	dma.strided [spmem:s18@s20], $0x200, s14, $0x10   }
0x94: {  	_ =	swait.ge [sflag:s13], $0x200  }
0x95: {  	[sflag:s13] =	ssyncset.done $0x0  }
0x96: {  	[sflag:s13] =	ssyncadd.s32 $0xFFFFFE00  }
0x97: {  	_ =	sfence.sel $0x180000  }
0x98: {  	[bflag:$0x0] =	sbarrier.arrive $0xFFFF  }
0x99: {  	p0 =	sne.s32 s0, $0x0;
	_ =	strace $0x90000047  }
0x9a: {  	s0 =	sadd.s32 @!p0 $0x100000, s1;
	[bflag:$0x2] =	sbarrier.arrive $0xFFFF  }
0x9b: {  	[sflag:s0] =	ssyncadd.tile.s32 @!p0 $0x1;
	_ =	shalt  }
.Lfunc_end2:
_tile_overlayer_lowered:
.L_overlay_start_2:
0x9c: {  	(tag) =	ssettag $0x2  }
0x9d: {  	s0 =	rddreg [dreg:$0x0];
	s2 =	stileid.u32  }
0x9e: {  	s1 =	rddreg [dreg:$0x1];
	p0 =	sne.s32 s2, $0x0  }
0x9f: {  	s3 =	rddreg [dreg:$0x2];
	[bflag:$0x3] =	sbarrier.arrive $0xFFFF;
	s2 =	simm.s32 @!p0 $0x1C03  }
0xa0: {  	[timem:s3], [sflag:s2] =	dma.local @!p0 [hbm:s0], s1  }
0xa1: {  	s0 =	simm.s32 @!p0 $0x3  }
0xa2: {  	_ =	swait.ge @!p0 [sflag:s0], s1  }
0xa3: {  	s1 =	ssub.s32 @!p0 $0x0, s1;
	[sflag:s0] =	ssyncset.done @!p0 $0x0  }
0xa4: {  	[sflag:s0] =	ssyncadd.s32 @!p0 s1  }
0xa5: {  	[bflag:$0x3] =	sbarrier.arrive $0xFFFF  }
0xa6: {  	_ =	shalt  }

</sc_bundles>
